<compile_context>
chip_gen: v7x
topology: tpu7x:2x2x1
jax: 0.10.2.dev20260603
libtpu: 0.0.44.dev20260713+nightly
codegen_flags: <defaults>
</compile_context>

<pallas_src>
import functools

import jax
import jax.numpy as jnp
from jax import lax
from jax.experimental import pallas as pl
from jax.experimental.pallas import tpu as pltpu
from jax.experimental.pallas import tpu_sc as plsc

N = 10000
NL = 2 * N
NU = 2 * N
E4 = 4 * 160000
CHUNK = 128
IDXROWS = -(-E4 // (256 * CHUNK)) * 256
EPAD = IDXROWS * CHUNK
TRASH = NU
TBL_ROWS = NU + 8
ACC_ROWS = 20480
PH3 = 6720
ACC3 = 6784


NB = 32


@functools.lru_cache(maxsize=None)
def _make_edge_aggregate(width, shard_by_core, npass, acc_rows, ntab, ndi):
    nshard = 32 if shard_by_core else 16
    nrows = IDXROWS // nshard
    zr = acc_rows // 16
    mesh = plsc.VectorSubcoreMesh(core_axis_name="c", subcore_axis_name="s")

    @functools.partial(
        pl.kernel,
        out_type=jax.ShapeDtypeStruct((2, npass, acc_rows, width), jnp.float32),
        mesh=mesh,
        scratch_types=[
            pltpu.VMEM((nrows, CHUNK), jnp.int32),
            pltpu.VMEM((nrows, CHUNK), jnp.int32),
            pltpu.VMEM((CHUNK, width), jnp.float32),
            pltpu.VMEM_SHARED((acc_rows, width), jnp.float32),
            pltpu.SemaphoreType.DMA,
        ],
        compiler_params=pltpu.CompilerParams(use_tc_tiling_on_sc=False),
    )
    def k(ta, tb, si_h, di_h, z_h, out, sv, dv, r0, acc, s0):
        c = lax.axis_index("c")
        t = lax.axis_index("s")
        base = (t * 2 + c) * nrows if shard_by_core else t * nrows
        pltpu.sync_copy(si_h.at[pl.ds(base, nrows)], sv)

        for p in range(npass):
            pltpu.sync_copy(z_h, acc.at[pl.ds(t * zr, zr)])
            plsc.subcore_barrier()

            def run(tbl):
                pltpu.sync_copy(
                    di_h.at[p if ndi > 1 else 0].at[pl.ds(base, nrows)], dv)

                def body(i, carry2):
                    pltpu.async_copy(tbl.at[sv.at[i]], r0, s0).wait()
                    pltpu.sync_copy(r0, acc.at[dv.at[i]], add=True)
                    return carry2

                lax.fori_loop(0, nrows, body, 0)

            pt = p if ntab > 1 else 0

            @pl.when(c == 0)
            def _():
                run(ta.at[pt])

            @pl.when(c == 1)
            def _():
                run(tb.at[pt])

            plsc.subcore_barrier()
            pltpu.sync_copy(acc.at[pl.ds(t * zr, zr)],
                            out.at[c, p, pl.ds(t * zr, zr)])
            plsc.subcore_barrier()

    return k


def _edge_aggregate(tbl_a, tbl_b, sidx, didx, zrows, *, width, shard_by_core,
                    npass=None):
    ntab, ndi = tbl_a.shape[0], didx.shape[0]
    npass = npass or max(ntab, ndi)
    acc_rows = zrows.shape[0] * 16
    return _make_edge_aggregate(width, shard_by_core, npass, acc_rows,
                                ntab, ndi)(tbl_a, tbl_b, sidx, didx, zrows)


_BLK = 1000


def _lkk_body(hL_ref, hU_ref, agg_ref, dis_ref, W_ref, b_ref, oL_ref, oU_ref):
    W = W_ref[...]
    b = b_ref[0:1, :]
    dis = dis_ref[...]
    m = dis * agg_ref[...] + dis * dis * hU_ref[...]
    zL = lax.dot_general(hL_ref[...], W, (((1,), (1,)), ((), ())),
                         preferred_element_type=jnp.float32)
    zU = lax.dot_general(m, W, (((1,), (1,)), ((), ())),
                         preferred_element_type=jnp.float32)
    oL_ref[...] = jnp.maximum(zL + b, 0.0)
    oU_ref[...] = jnp.maximum(zU + b, 0.0)


def _layer(hL, hU, agg, disb, W, b8):
    grid = NL // _BLK
    return pl.pallas_call(
        _lkk_body,
        grid=(grid,),
        in_specs=[
            pl.BlockSpec((_BLK, 128), lambda i: (i, 0)),
            pl.BlockSpec((_BLK, 128), lambda i: (i, 0)),
            pl.BlockSpec((_BLK, 128), lambda i: (i, 0)),
            pl.BlockSpec((_BLK, 128), lambda i: (i, 0)),
            pl.BlockSpec((128, 128), lambda i: (0, 0)),
            pl.BlockSpec((8, 128), lambda i: (0, 0)),
        ],
        out_specs=[
            pl.BlockSpec((_BLK, 128), lambda i: (i, 0)),
            pl.BlockSpec((_BLK, 128), lambda i: (i, 0)),
        ],
        out_shape=[
            jax.ShapeDtypeStruct((NL, 128), jnp.float32),
            jax.ShapeDtypeStruct((NL, 128), jnp.float32),
        ],
    )(hL, hU, agg, disb, W, b8)


def _pool_body(hL_ref, hU_ref, o_ref):
    g = pl.program_id(0)

    @pl.when(g == 0)
    def _():
        o_ref[...] = jnp.zeros_like(o_ref)

    sL = jnp.sum(hL_ref[...], axis=0, keepdims=True)
    sU = jnp.sum(hU_ref[...], axis=0, keepdims=True)
    riota = lax.broadcasted_iota(jnp.int32, (8, 128), 0)
    rowL = jnp.where(g < 10, 0, 1)
    rowU = jnp.where(g < 10, 2, 3)
    upd = jnp.where(riota == rowL, sL, 0.0) + jnp.where(riota == rowU, sU, 0.0)
    o_ref[...] += upd


def _pool(hL, hU):
    grid = NL // _BLK
    return pl.pallas_call(
        _pool_body,
        grid=(grid,),
        in_specs=[
            pl.BlockSpec((_BLK, 128), lambda i: (i, 0)),
            pl.BlockSpec((_BLK, 128), lambda i: (i, 0)),
        ],
        out_specs=pl.BlockSpec((8, 128), lambda i: (0, 0)),
        out_shape=jax.ShapeDtypeStruct((8, 128), jnp.float32),
    )(hL, hU)


NOPAD = 10240
_OBLK = 1024


def _fin_body(p_ref, m1_ref, b1_ref, m2_ref, b2_ref, ow_ref, ob_ref, o_ref):
    z = p_ref[...]
    z = jnp.maximum(lax.dot_general(z, m1_ref[...], (((1,), (1,)), ((), ())),
                                    preferred_element_type=jnp.float32)
                    + b1_ref[0:1, :], 0.0)
    z = jnp.maximum(lax.dot_general(z, m2_ref[...], (((1,), (1,)), ((), ())),
                                    preferred_element_type=jnp.float32)
                    + b2_ref[0:1, :], 0.0)
    logits = lax.dot_general(z, ow_ref[...], (((1,), (1,)), ((), ())),
                             preferred_element_type=jnp.float32) + ob_ref[...]
    o_ref[...] = jax.nn.sigmoid(logits)


def _fin(pool8, M1w, M1b8, M2w, M2b8, OwP, ObP8):
    grid = NOPAD // _OBLK
    return pl.pallas_call(
        _fin_body,
        grid=(grid,),
        in_specs=[
            pl.BlockSpec((8, 128), lambda i: (0, 0)),
            pl.BlockSpec((128, 128), lambda i: (0, 0)),
            pl.BlockSpec((8, 128), lambda i: (0, 0)),
            pl.BlockSpec((128, 128), lambda i: (0, 0)),
            pl.BlockSpec((8, 128), lambda i: (0, 0)),
            pl.BlockSpec((_OBLK, 128), lambda i: (i, 0)),
            pl.BlockSpec((8, _OBLK), lambda i: (0, i)),
        ],
        out_specs=pl.BlockSpec((8, _OBLK), lambda i: (0, i)),
        out_shape=jax.ShapeDtypeStruct((8, NOPAD), jnp.float32),
    )(pool8, M1w, M1b8, M2w, M2b8, OwP, ObP8)


def _b8(v):
    return jnp.broadcast_to(v[None, :], (8, v.shape[0])).astype(jnp.float32)


def _padcols(a, width=128):
    return jnp.pad(a, ((0, 0), (0, width - a.shape[1])))


def kernel(actions, node_features, edge_index, W1, b1, W2, b2, W3, b3,
           M1w, M1b, M2w, M2b, Ow, Ob):
    B_ = actions.shape[0]
    nf = node_features.astype(jnp.float32).reshape(B_, N)
    x = jnp.stack((actions[:, :, 0], actions[:, :, 1], nf), axis=2)
    x = x.reshape(B_ * N, 3)
    xL, xU = x[:NL], x[NL:]

    ei = edge_index + (jnp.arange(B_, dtype=edge_index.dtype) * N)[:, None, None]
    ei = ei.reshape(2, E4)
    pad = jnp.full((EPAD - E4,), TRASH, dtype=jnp.int32)
    sidx = jnp.concatenate([ei[0].astype(jnp.int32), pad]).reshape(IDXROWS, CHUNK)
    dfull = jnp.concatenate([(ei[1] - NL).astype(jnp.int32), pad])
    didx = dfull.reshape(1, IDXROWS, CHUNK)
    dps = []
    for p in range(3):
        inp = (dfull >= p * PH3) & (dfull < (p + 1) * PH3)
        dps.append(jnp.where(inp, dfull - p * PH3, PH3))
    didx3 = jnp.stack(dps).reshape(3, IDXROWS, CHUNK)

    xtbl = jnp.zeros((TBL_ROWS, 16), jnp.float32)
    xtbl = xtbl.at[:NL, :3].set(xL).at[:NL, 3].set(1.0)
    z16 = jnp.zeros((ACC_ROWS // 16, 16), jnp.float32)
    g16 = _edge_aggregate(xtbl[None], xtbl[None], sidx, didx, z16,
                          width=16, shard_by_core=True)
    g16s = g16[0, 0, :NU] + g16[1, 0, :NU]
    cnt = g16s[:, 3]
    dis = lax.rsqrt(1.0 + cnt)
    disb = jnp.broadcast_to(dis[:, None], (NU, 128))
    agg1 = _padcols(g16s[:, :3])

    w1p = jnp.zeros((128, 128), jnp.float32).at[:, :3].set(W1)
    hL, hU = _layer(_padcols(xL), _padcols(xU), agg1, disb, w1p, _b8(b1))

    z32 = jnp.zeros((ACC_ROWS // 16, 32), jnp.float32)

    def body(carry, wb):
        hLc, hUc = carry
        W, b8 = wb
        tbl = jnp.zeros((TBL_ROWS, 128), jnp.float32).at[:NL].set(hLc)
        ta = jnp.stack([tbl[:, 0:32], tbl[:, 64:96]])
        tb = jnp.stack([tbl[:, 32:64], tbl[:, 96:128]])
        g = _edge_aggregate(ta, tb, sidx, didx, z32,
                            width=32, shard_by_core=False)
        agg = jnp.concatenate([g[0, 0, :NU], g[1, 0, :NU],
                               g[0, 1, :NU], g[1, 1, :NU]], axis=1)
        hLn, hUn = _layer(hLc, hUc, agg, disb, W, b8)
        return (hLn, hUn), 0

    (hL, hU), _ = lax.scan(
        body, (hL, hU),
        (jnp.stack([W2, W3]), jnp.stack([_b8(b2), _b8(b3)])))

    pool8 = _pool(hL, hU)

    OwP = jnp.zeros((NOPAD, 128), jnp.float32).at[:N].set(Ow)
    ObP8 = _b8(jnp.pad(Ob, (0, NOPAD - N)))
    out8 = _fin(pool8, M1w, _b8(M1b), M2w, _b8(M2b), OwP, ObP8)
    return out8[:B_, :N]

# --- scband reference (transcript-rebuilt; emitter-appended) ---
"""Pipeline reference for scband-gcn-critic-34187939676287 (READ-ONLY COPY).

The authoritative reference and input builder live on the scoring server;
editing this copy changes nothing except your own understanding.
"""

import jax, jax.numpy as jnp
import numpy as np

B = 4
N = 10000
E = 160000
H = 128
EMB = 128


def _gcn_conv(x, src, dst, W, b, n):
    # PyG GCNConv: add self-loops, symmetric normalization, linear transform, scatter-add to target
    loop = jnp.arange(n, dtype=src.dtype)
    s = jnp.concatenate([src, loop])
    d = jnp.concatenate([dst, loop])
    deg = jnp.zeros((n,), x.dtype).at[d].add(1.0)
    dis = jnp.where(deg > 0, jax.lax.rsqrt(jnp.maximum(deg, 1e-12)), 0.0)
    norm = dis[s] * dis[d]
    xw = x @ W.T
    out = jnp.zeros((n, W.shape[0]), x.dtype).at[d].add(xw[s] * norm[:, None])
    return out + b


def setup_inputs(seed: int = 0) -> dict:
    key = jax.random.key(seed)
    ks = jax.random.split(key, 16)
    actions = jax.random.normal(ks[0], (B, N, 2), dtype=jnp.float32)
    node_features = jax.random.normal(ks[1], (B, 1, N), dtype=jnp.float32)
    edge_index = jax.random.randint(ks[2], (B, 2, E), 0, N, dtype=jnp.int32)
    # conv params (GCNConv: weight [out,in], bias [out])
    W1 = jax.random.normal(ks[3], (H, 3), dtype=jnp.float32) * 0.5
    b1 = jnp.zeros((H,), jnp.float32)
    W2 = jax.random.normal(ks[4], (H, H), dtype=jnp.float32) * (1.0 / np.sqrt(H))
    b2 = jnp.zeros((H,), jnp.float32)
    W3 = jax.random.normal(ks[5], (EMB, H), dtype=jnp.float32) * (1.0 / np.sqrt(H))
    b3 = jnp.zeros((EMB,), jnp.float32)
    # mlp params
    M1w = jax.random.normal(ks[6], (H, EMB), dtype=jnp.float32) * (1.0 / np.sqrt(EMB))
    M1b = jnp.zeros((H,), jnp.float32)
    M2w = jax.random.normal(ks[7], (H, H), dtype=jnp.float32) * (1.0 / np.sqrt(H))
    M2b = jnp.zeros((H,), jnp.float32)
    Ow = jax.random.normal(ks[8], (N, H), dtype=jnp.float32) * (1.0 / np.sqrt(H))
    Ob = jnp.zeros((N,), jnp.float32)
    return {"actions": actions, "node_features": node_features, "edge_index": edge_index,
            "W1": W1, "b1": b1, "W2": W2, "b2": b2, "W3": W3, "b3": b3,
            "M1w": M1w, "M1b": M1b, "M2w": M2w, "M2b": M2b, "Ow": Ow, "Ob": Ob}


def reference(actions, node_features, edge_index, W1, b1, W2, b2, W3, b3, M1w, M1b, M2w, M2b, Ow, Ob):
    # eval mode: dropout is identity
    B_, F_, N_ = node_features.shape
    batch = jnp.repeat(jnp.arange(B_), N_)
    nf = node_features.astype(jnp.float32).squeeze()  # [B, N]
    x = jnp.stack((actions[:, :, 0], actions[:, :, 1], nf), axis=2)  # [B, N, 3]
    x = x.reshape(B_ * N_, x.shape[2])
    # per-batch node offsets (original code mutates in place; functional here)
    ei = edge_index + (jnp.arange(B_, dtype=edge_index.dtype) * N_)[:, None, None]
    # faithful to original buggy-but-valid reshape [B,2,E] -> [2, B*E]
    ei = ei.reshape(2, B_ * edge_index.shape[2])
    n_tot = B_ * N_
    for (W, b) in ((W1, b1), (W2, b2), (W3, b3)):
        x = jax.nn.relu(_gcn_conv(x, ei[0], ei[1], W, b, n_tot))
    x = jax.ops.segment_sum(x, batch, num_segments=B_)
    for (W, b) in ((M1w, M1b), (M2w, M2b)):
        x = jax.nn.relu(x @ W.T + b)
    out = jax.nn.sigmoid(x @ Ow.T + Ob)
    return out

if __name__ == "__main__":
    import jax
    _d = setup_inputs()
    print(jax.jit(kernel)(*tuple(_d.values())))

</pallas_src>

<mosaic_0001>
#map = affine_map<(d0, d1) -> (0, 0, 0)>
#map1 = affine_map<(d0, d1) -> (0, 0)>
#map2 = affine_map<(d0, d1) -> (0, 0, 0, 0)>
module attributes {stable_mosaic.version = 14 : i64} {
  func.func @k(%arg0: i32, %arg1: i32, %arg2: memref<2x20008x32xf32, #tpu.memory_space<hbm>>, %arg3: memref<2x20008x32xf32, #tpu.memory_space<hbm>>, %arg4: memref<5120x128xi32, #tpu.memory_space<hbm>>, %arg5: memref<1x5120x128xi32, #tpu.memory_space<hbm>>, %arg6: memref<1280x32xf32, #tpu.memory_space<hbm>>, %arg7: memref<2x2x20480x32xf32, #tpu.memory_space<hbm>>, %arg8: memref<320x128xi32, #tpu.memory_space<vmem>>, %arg9: memref<320x128xi32, #tpu.memory_space<vmem>>, %arg10: memref<128x32xf32, #tpu.memory_space<vmem>>, %arg11: memref<20480x32xf32, #tpu.memory_space<vmem_shared>>, %arg12: memref<!tpu.dma_semaphore, #tpu.memory_space<semaphore_mem>>) attributes {dimension_semantics = [#tpu.dimension_semantics<core_parallel>, #tpu.dimension_semantics<subcore_parallel>], iteration_bounds = array<i64: 2, 16>, scalar_prefetch = 0 : i64, scratch_operands = 5 : i64, tpu.core_type = #tpu.core_type<sc_vector_subcore>, window_params = [{transform_indices = #map}, {transform_indices = #map}, {transform_indices = #map1}, {transform_indices = #map}, {transform_indices = #map1}, {transform_indices = #map2}]} {
    %mul3A = arith.constant 320 : i32
    %mul3A_0 = arith.muli %arg1, %mul3A : i32
    "tpu.region"() ({
      %run_scoped3A_36 = tpu.sem_alloc : memref<!tpu.dma_semaphore, #tpu.memory_space<semaphore_mem>>
      %dma_start3A = arith.constant 0 : i32
      %dma_start3A_37 = tpu.memref_slice %arg4[%mul3A_0, %dma_start3A] : memref<5120x128xi32, #tpu.memory_space<hbm>> -> memref<320x128xi32, #tpu.memory_space<hbm>>
      %dma_start3A_38 = arith.constant 0 : i32
      %dma_start3A_39 = tpu.memref_slice %arg4[%mul3A_0, %dma_start3A_38] : memref<5120x128xi32, #tpu.memory_space<hbm>> -> memref<320x128xi32, #tpu.memory_space<hbm>>
      tpu.enqueue_dma source(%dma_start3A_39 : memref<320x128xi32, #tpu.memory_space<hbm>>) target(%arg8 : memref<320x128xi32, #tpu.memory_space<vmem>>) target_semaphore(%run_scoped3A_36 : memref<!tpu.dma_semaphore, #tpu.memory_space<semaphore_mem>>)
      %dma_wait3A = arith.constant 0 : i32
      %dma_wait3A_40 = tpu.memref_slice %arg4[%mul3A_0, %dma_wait3A] : memref<5120x128xi32, #tpu.memory_space<hbm>> -> memref<320x128xi32, #tpu.memory_space<hbm>>
      %dma_wait3A_41 = arith.constant 0 : i32
      %dma_wait3A_42 = tpu.memref_slice %arg4[%mul3A_0, %dma_wait3A_41] : memref<5120x128xi32, #tpu.memory_space<hbm>> -> memref<320x128xi32, #tpu.memory_space<hbm>>
      tpu.wait_dma2 semaphore(%run_scoped3A_36 : memref<!tpu.dma_semaphore, #tpu.memory_space<semaphore_mem>>) src(%dma_wait3A_42 : memref<320x128xi32, #tpu.memory_space<hbm>>) dst(%arg8 : memref<320x128xi32, #tpu.memory_space<vmem>>)
      tpu.yield
    }) : () -> ()
    %mul3A_1 = arith.constant 1280 : i32
    %mul3A_2 = arith.muli %arg1, %mul3A_1 : i32
    "tpu.region"() ({
      %run_scoped3A_36 = tpu.sem_alloc : memref<!tpu.dma_semaphore, #tpu.memory_space<semaphore_mem>>
      %dma_start3A = arith.constant 0 : i32
      %dma_start3A_37 = tpu.memref_slice %arg11[%mul3A_2, %dma_start3A] : memref<20480x32xf32, #tpu.memory_space<vmem_shared>> -> memref<1280x32xf32, #tpu.memory_space<vmem_shared>>
      tpu.enqueue_dma source(%arg6 : memref<1280x32xf32, #tpu.memory_space<hbm>>) target(%dma_start3A_37 : memref<1280x32xf32, #tpu.memory_space<vmem_shared>>) target_semaphore(%run_scoped3A_36 : memref<!tpu.dma_semaphore, #tpu.memory_space<semaphore_mem>>)
      %dma_wait3A = arith.constant 0 : i32
      %dma_wait3A_38 = tpu.memref_slice %arg11[%mul3A_2, %dma_wait3A] : memref<20480x32xf32, #tpu.memory_space<vmem_shared>> -> memref<1280x32xf32, #tpu.memory_space<vmem_shared>>
      tpu.wait_dma2 semaphore(%run_scoped3A_36 : memref<!tpu.dma_semaphore, #tpu.memory_space<semaphore_mem>>) src(%arg6 : memref<1280x32xf32, #tpu.memory_space<hbm>>) dst(%dma_wait3A_38 : memref<1280x32xf32, #tpu.memory_space<vmem_shared>>)
      tpu.yield
    }) : () -> ()
    %barrier3A = arith.constant 0 : index
    tpu.barrier barrier_id(%barrier3A)
    %eq3A = arith.constant 0 : i32
    %eq3A_3 = arith.cmpi eq, %arg0, %eq3A : i32
    %convert_element_type3A = arith.extui %eq3A_3 : i1 to i32
    %cond3A = arith.constant 0 : i32
    %cond3A_4 = arith.cmpi ne, %convert_element_type3A, %cond3A : i32
    scf.if %cond3A_4 {
      %run_scoped3A_36 = arith.constant 0 : i32
      "tpu.region"() ({
        %run_scoped3A_43 = tpu.sem_alloc : memref<!tpu.dma_semaphore, #tpu.memory_space<semaphore_mem>>
        %dma_start3A = arith.constant 0 : i32
        %dma_start3A_44 = arith.constant 0 : i32
        %dma_start3A_45 = tpu.memref_slice %arg5[%run_scoped3A_36, %dma_start3A, %dma_start3A_44] : memref<1x5120x128xi32, #tpu.memory_space<hbm>> -> memref<1x5120x128xi32, #tpu.memory_space<hbm>>
        %dma_start3A_46 = tpu.memref_squeeze %dma_start3A_45 : memref<1x5120x128xi32, #tpu.memory_space<hbm>> -> memref<5120x128xi32, #tpu.memory_space<hbm>>
        %dma_start3A_47 = arith.constant 0 : i32
        %dma_start3A_48 = tpu.memref_slice %dma_start3A_46[%mul3A_0, %dma_start3A_47] : memref<5120x128xi32, #tpu.memory_space<hbm>> -> memref<320x128xi32, #tpu.memory_space<hbm>>
        %dma_start3A_49 = arith.constant 0 : i32
        %dma_start3A_50 = arith.constant 0 : i32
        %dma_start3A_51 = tpu.memref_slice %arg5[%run_scoped3A_36, %dma_start3A_49, %dma_start3A_50] : memref<1x5120x128xi32, #tpu.memory_space<hbm>> -> memref<1x5120x128xi32, #tpu.memory_space<hbm>>
        %dma_start3A_52 = tpu.memref_squeeze %dma_start3A_51 : memref<1x5120x128xi32, #tpu.memory_space<hbm>> -> memref<5120x128xi32, #tpu.memory_space<hbm>>
        %dma_start3A_53 = arith.constant 0 : i32
        %dma_start3A_54 = tpu.memref_slice %dma_start3A_52[%mul3A_0, %dma_start3A_53] : memref<5120x128xi32, #tpu.memory_space<hbm>> -> memref<320x128xi32, #tpu.memory_space<hbm>>
        tpu.enqueue_dma source(%dma_start3A_54 : memref<320x128xi32, #tpu.memory_space<hbm>>) target(%arg9 : memref<320x128xi32, #tpu.memory_space<vmem>>) target_semaphore(%run_scoped3A_43 : memref<!tpu.dma_semaphore, #tpu.memory_space<semaphore_mem>>)
        %dma_wait3A = arith.constant 0 : i32
        %dma_wait3A_55 = arith.constant 0 : i32
        %dma_wait3A_56 = tpu.memref_slice %arg5[%run_scoped3A_36, %dma_wait3A, %dma_wait3A_55] : memref<1x5120x128xi32, #tpu.memory_space<hbm>> -> memref<1x5120x128xi32, #tpu.memory_space<hbm>>
        %dma_wait3A_57 = tpu.memref_squeeze %dma_wait3A_56 : memref<1x5120x128xi32, #tpu.memory_space<hbm>> -> memref<5120x128xi32, #tpu.memory_space<hbm>>
        %dma_wait3A_58 = arith.constant 0 : i32
        %dma_wait3A_59 = tpu.memref_slice %dma_wait3A_57[%mul3A_0, %dma_wait3A_58] : memref<5120x128xi32, #tpu.memory_space<hbm>> -> memref<320x128xi32, #tpu.memory_space<hbm>>
        %dma_wait3A_60 = arith.constant 0 : i32
        %dma_wait3A_61 = arith.constant 0 : i32
        %dma_wait3A_62 = tpu.memref_slice %arg5[%run_scoped3A_36, %dma_wait3A_60, %dma_wait3A_61] : memref<1x5120x128xi32, #tpu.memory_space<hbm>> -> memref<1x5120x128xi32, #tpu.memory_space<hbm>>
        %dma_wait3A_63 = tpu.memref_squeeze %dma_wait3A_62 : memref<1x5120x128xi32, #tpu.memory_space<hbm>> -> memref<5120x128xi32, #tpu.memory_space<hbm>>
        %dma_wait3A_64 = arith.constant 0 : i32
        %dma_wait3A_65 = tpu.memref_slice %dma_wait3A_63[%mul3A_0, %dma_wait3A_64] : memref<5120x128xi32, #tpu.memory_space<hbm>> -> memref<320x128xi32, #tpu.memory_space<hbm>>
        tpu.wait_dma2 semaphore(%run_scoped3A_43 : memref<!tpu.dma_semaphore, #tpu.memory_space<semaphore_mem>>) src(%dma_wait3A_65 : memref<320x128xi32, #tpu.memory_space<hbm>>) dst(%arg9 : memref<320x128xi32, #tpu.memory_space<vmem>>)
        tpu.yield
      }) : () -> ()
      %scan3A = arith.constant 0 : i32
      %scan3A_37 = arith.constant 0 : i32
      %scan3A_38 = arith.constant 0 : i32
      %scan3A_39 = arith.constant 320 : i32
      %scan3A_40 = arith.addi %scan3A_38, %scan3A_39 : i32
      %scan3A_41 = arith.constant 1 : i32
      scf.for %scan3A_43 = %scan3A_38 to %scan3A_40 step %scan3A_41  : i32 {
        %dma_start3A = arith.constant 0 : i32
        %dma_start3A_44 = tpu.memref_slice %arg8[%scan3A_43, %dma_start3A] : memref<320x128xi32, #tpu.memory_space<vmem>> -> memref<1x128xi32, #tpu.memory_space<vmem>>
        %dma_start3A_45 = tpu.memref_squeeze %dma_start3A_44 : memref<1x128xi32, #tpu.memory_space<vmem>> -> memref<128xi32, #tpu.memory_space<vmem>>
        %dma_start3A_46 = arith.constant 0 : i32
        %dma_start3A_47 = arith.constant 0 : i32
        %dma_start3A_48 = tpu.memref_slice %arg2[%scan3A_37, %dma_start3A_46, %dma_start3A_47] : memref<2x20008x32xf32, #tpu.memory_space<hbm>> -> memref<1x20008x32xf32, #tpu.memory_space<hbm>>
        %dma_start3A_49 = tpu.memref_squeeze %dma_start3A_48 : memref<1x20008x32xf32, #tpu.memory_space<hbm>> -> memref<20008x32xf32, #tpu.memory_space<hbm>>
        %dma_start3A_50 = arith.constant 0 : i32
        %dma_start3A_51 = arith.constant 0 : i32
        %dma_start3A_52 = tpu.memref_slice %dma_start3A_49[%dma_start3A_50, %dma_start3A_51] : memref<20008x32xf32, #tpu.memory_space<hbm>> -> memref<20008x32xf32, #tpu.memory_space<hbm>>
        tpu.enqueue_indirect_dma source(%dma_start3A_52 : memref<20008x32xf32, #tpu.memory_space<hbm>>) target(%arg10 : memref<128x32xf32, #tpu.memory_space<vmem>>) offsets(%dma_start3A_45 : memref<128xi32, #tpu.memory_space<vmem>>) semaphore(%arg12 : memref<!tpu.dma_semaphore, #tpu.memory_space<semaphore_mem>>)
        %dma_wait3A = arith.constant 0 : i32
        %dma_wait3A_53 = tpu.memref_slice %arg8[%scan3A_43, %dma_wait3A] : memref<320x128xi32, #tpu.memory_space<vmem>> -> memref<1x128xi32, #tpu.memory_space<vmem>>
        %dma_wait3A_54 = tpu.memref_squeeze %dma_wait3A_53 : memref<1x128xi32, #tpu.memory_space<vmem>> -> memref<128xi32, #tpu.memory_space<vmem>>
        %dma_wait3A_55 = arith.constant 0 : i32
        %dma_wait3A_56 = arith.constant 0 : i32
        %dma_wait3A_57 = tpu.memref_slice %arg2[%scan3A_37, %dma_wait3A_55, %dma_wait3A_56] : memref<2x20008x32xf32, #tpu.memory_space<hbm>> -> memref<1x20008x32xf32, #tpu.memory_space<hbm>>
        %dma_wait3A_58 = tpu.memref_squeeze %dma_wait3A_57 : memref<1x20008x32xf32, #tpu.memory_space<hbm>> -> memref<20008x32xf32, #tpu.memory_space<hbm>>
        %dma_wait3A_59 = arith.constant 0 : i32
        %dma_wait3A_60 = arith.constant 0 : i32
        %dma_wait3A_61 = tpu.memref_slice %dma_wait3A_58[%dma_wait3A_59, %dma_wait3A_60] : memref<20008x32xf32, #tpu.memory_space<hbm>> -> memref<20008x32xf32, #tpu.memory_space<hbm>>
        tpu.wait_indirect_dma semaphore(%arg12 : memref<!tpu.dma_semaphore, #tpu.memory_space<semaphore_mem>>) src(%dma_wait3A_61 : memref<20008x32xf32, #tpu.memory_space<hbm>>) dst(%arg10 : memref<128x32xf32, #tpu.memory_space<vmem>>)
        "tpu.region"() ({
          %run_scoped3A_62 = tpu.sem_alloc : memref<!tpu.dma_semaphore, #tpu.memory_space<semaphore_mem>>
          %dma_start3A_63 = arith.constant 0 : i32
          %dma_start3A_64 = tpu.memref_slice %arg9[%scan3A_43, %dma_start3A_63] : memref<320x128xi32, #tpu.memory_space<vmem>> -> memref<1x128xi32, #tpu.memory_space<vmem>>
          %dma_start3A_65 = tpu.memref_squeeze %dma_start3A_64 : memref<1x128xi32, #tpu.memory_space<vmem>> -> memref<128xi32, #tpu.memory_space<vmem>>
          %dma_start3A_66 = arith.constant 0 : i32
          %dma_start3A_67 = arith.constant 0 : i32
          %dma_start3A_68 = tpu.memref_slice %arg11[%dma_start3A_66, %dma_start3A_67] : memref<20480x32xf32, #tpu.memory_space<vmem_shared>> -> memref<20480x32xf32, #tpu.memory_space<vmem_shared>>
          tpu.enqueue_indirect_dma source(%arg10 : memref<128x32xf32, #tpu.memory_space<vmem>>) target(%dma_start3A_68 : memref<20480x32xf32, #tpu.memory_space<vmem_shared>>) offsets(%dma_start3A_65 : memref<128xi32, #tpu.memory_space<vmem>>) semaphore(%run_scoped3A_62 : memref<!tpu.dma_semaphore, #tpu.memory_space<semaphore_mem>>) {add = true}
          %dma_wait3A_69 = arith.constant 0 : i32
          %dma_wait3A_70 = tpu.memref_slice %arg9[%scan3A_43, %dma_wait3A_69] : memref<320x128xi32, #tpu.memory_space<vmem>> -> memref<1x128xi32, #tpu.memory_space<vmem>>
          %dma_wait3A_71 = tpu.memref_squeeze %dma_wait3A_70 : memref<1x128xi32, #tpu.memory_space<vmem>> -> memref<128xi32, #tpu.memory_space<vmem>>
          %dma_wait3A_72 = arith.constant 0 : i32
          %dma_wait3A_73 = arith.constant 0 : i32
          %dma_wait3A_74 = tpu.memref_slice %arg11[%dma_wait3A_72, %dma_wait3A_73] : memref<20480x32xf32, #tpu.memory_space<vmem_shared>> -> memref<20480x32xf32, #tpu.memory_space<vmem_shared>>
          tpu.wait_indirect_dma semaphore(%run_scoped3A_62 : memref<!tpu.dma_semaphore, #tpu.memory_space<semaphore_mem>>) src(%arg10 : memref<128x32xf32, #tpu.memory_space<vmem>>) dst(%dma_wait3A_74 : memref<20480x32xf32, #tpu.memory_space<vmem_shared>>)
          tpu.yield
        }) : () -> ()
      }
      %scan3A_42 = arith.constant 320 : i32
    } else {
    }
    %eq3A_5 = arith.constant 1 : i32
    %eq3A_6 = arith.cmpi eq, %arg0, %eq3A_5 : i32
    %convert_element_type3A_7 = arith.extui %eq3A_6 : i1 to i32
    %cond3A_8 = arith.constant 0 : i32
    %cond3A_9 = arith.cmpi ne, %convert_element_type3A_7, %cond3A_8 : i32
    scf.if %cond3A_9 {
      %run_scoped3A_36 = arith.constant 0 : i32
      "tpu.region"() ({
        %run_scoped3A_43 = tpu.sem_alloc : memref<!tpu.dma_semaphore, #tpu.memory_space<semaphore_mem>>
        %dma_start3A = arith.constant 0 : i32
        %dma_start3A_44 = arith.constant 0 : i32
        %dma_start3A_45 = tpu.memref_slice %arg5[%run_scoped3A_36, %dma_start3A, %dma_start3A_44] : memref<1x5120x128xi32, #tpu.memory_space<hbm>> -> memref<1x5120x128xi32, #tpu.memory_space<hbm>>
        %dma_start3A_46 = tpu.memref_squeeze %dma_start3A_45 : memref<1x5120x128xi32, #tpu.memory_space<hbm>> -> memref<5120x128xi32, #tpu.memory_space<hbm>>
        %dma_start3A_47 = arith.constant 0 : i32
        %dma_start3A_48 = tpu.memref_slice %dma_start3A_46[%mul3A_0, %dma_start3A_47] : memref<5120x128xi32, #tpu.memory_space<hbm>> -> memref<320x128xi32, #tpu.memory_space<hbm>>
        %dma_start3A_49 = arith.constant 0 : i32
        %dma_start3A_50 = arith.constant 0 : i32
        %dma_start3A_51 = tpu.memref_slice %arg5[%run_scoped3A_36, %dma_start3A_49, %dma_start3A_50] : memref<1x5120x128xi32, #tpu.memory_space<hbm>> -> memref<1x5120x128xi32, #tpu.memory_space<hbm>>
        %dma_start3A_52 = tpu.memref_squeeze %dma_start3A_51 : memref<1x5120x128xi32, #tpu.memory_space<hbm>> -> memref<5120x128xi32, #tpu.memory_space<hbm>>
        %dma_start3A_53 = arith.constant 0 : i32
        %dma_start3A_54 = tpu.memref_slice %dma_start3A_52[%mul3A_0, %dma_start3A_53] : memref<5120x128xi32, #tpu.memory_space<hbm>> -> memref<320x128xi32, #tpu.memory_space<hbm>>
        tpu.enqueue_dma source(%dma_start3A_54 : memref<320x128xi32, #tpu.memory_space<hbm>>) target(%arg9 : memref<320x128xi32, #tpu.memory_space<vmem>>) target_semaphore(%run_scoped3A_43 : memref<!tpu.dma_semaphore, #tpu.memory_space<semaphore_mem>>)
        %dma_wait3A = arith.constant 0 : i32
        %dma_wait3A_55 = arith.constant 0 : i32
        %dma_wait3A_56 = tpu.memref_slice %arg5[%run_scoped3A_36, %dma_wait3A, %dma_wait3A_55] : memref<1x5120x128xi32, #tpu.memory_space<hbm>> -> memref<1x5120x128xi32, #tpu.memory_space<hbm>>
        %dma_wait3A_57 = tpu.memref_squeeze %dma_wait3A_56 : memref<1x5120x128xi32, #tpu.memory_space<hbm>> -> memref<5120x128xi32, #tpu.memory_space<hbm>>
        %dma_wait3A_58 = arith.constant 0 : i32
        %dma_wait3A_59 = tpu.memref_slice %dma_wait3A_57[%mul3A_0, %dma_wait3A_58] : memref<5120x128xi32, #tpu.memory_space<hbm>> -> memref<320x128xi32, #tpu.memory_space<hbm>>
        %dma_wait3A_60 = arith.constant 0 : i32
        %dma_wait3A_61 = arith.constant 0 : i32
        %dma_wait3A_62 = tpu.memref_slice %arg5[%run_scoped3A_36, %dma_wait3A_60, %dma_wait3A_61] : memref<1x5120x128xi32, #tpu.memory_space<hbm>> -> memref<1x5120x128xi32, #tpu.memory_space<hbm>>
        %dma_wait3A_63 = tpu.memref_squeeze %dma_wait3A_62 : memref<1x5120x128xi32, #tpu.memory_space<hbm>> -> memref<5120x128xi32, #tpu.memory_space<hbm>>
        %dma_wait3A_64 = arith.constant 0 : i32
        %dma_wait3A_65 = tpu.memref_slice %dma_wait3A_63[%mul3A_0, %dma_wait3A_64] : memref<5120x128xi32, #tpu.memory_space<hbm>> -> memref<320x128xi32, #tpu.memory_space<hbm>>
        tpu.wait_dma2 semaphore(%run_scoped3A_43 : memref<!tpu.dma_semaphore, #tpu.memory_space<semaphore_mem>>) src(%dma_wait3A_65 : memref<320x128xi32, #tpu.memory_space<hbm>>) dst(%arg9 : memref<320x128xi32, #tpu.memory_space<vmem>>)
        tpu.yield
      }) : () -> ()
      %scan3A = arith.constant 0 : i32
      %scan3A_37 = arith.constant 0 : i32
      %scan3A_38 = arith.constant 0 : i32
      %scan3A_39 = arith.constant 320 : i32
      %scan3A_40 = arith.addi %scan3A_38, %scan3A_39 : i32
      %scan3A_41 = arith.constant 1 : i32
      scf.for %scan3A_43 = %scan3A_38 to %scan3A_40 step %scan3A_41  : i32 {
        %dma_start3A = arith.constant 0 : i32
        %dma_start3A_44 = tpu.memref_slice %arg8[%scan3A_43, %dma_start3A] : memref<320x128xi32, #tpu.memory_space<vmem>> -> memref<1x128xi32, #tpu.memory_space<vmem>>
        %dma_start3A_45 = tpu.memref_squeeze %dma_start3A_44 : memref<1x128xi32, #tpu.memory_space<vmem>> -> memref<128xi32, #tpu.memory_space<vmem>>
        %dma_start3A_46 = arith.constant 0 : i32
        %dma_start3A_47 = arith.constant 0 : i32
        %dma_start3A_48 = tpu.memref_slice %arg3[%scan3A_37, %dma_start3A_46, %dma_start3A_47] : memref<2x20008x32xf32, #tpu.memory_space<hbm>> -> memref<1x20008x32xf32, #tpu.memory_space<hbm>>
        %dma_start3A_49 = tpu.memref_squeeze %dma_start3A_48 : memref<1x20008x32xf32, #tpu.memory_space<hbm>> -> memref<20008x32xf32, #tpu.memory_space<hbm>>
        %dma_start3A_50 = arith.constant 0 : i32
        %dma_start3A_51 = arith.constant 0 : i32
        %dma_start3A_52 = tpu.memref_slice %dma_start3A_49[%dma_start3A_50, %dma_start3A_51] : memref<20008x32xf32, #tpu.memory_space<hbm>> -> memref<20008x32xf32, #tpu.memory_space<hbm>>
        tpu.enqueue_indirect_dma source(%dma_start3A_52 : memref<20008x32xf32, #tpu.memory_space<hbm>>) target(%arg10 : memref<128x32xf32, #tpu.memory_space<vmem>>) offsets(%dma_start3A_45 : memref<128xi32, #tpu.memory_space<vmem>>) semaphore(%arg12 : memref<!tpu.dma_semaphore, #tpu.memory_space<semaphore_mem>>)
        %dma_wait3A = arith.constant 0 : i32
        %dma_wait3A_53 = tpu.memref_slice %arg8[%scan3A_43, %dma_wait3A] : memref<320x128xi32, #tpu.memory_space<vmem>> -> memref<1x128xi32, #tpu.memory_space<vmem>>
        %dma_wait3A_54 = tpu.memref_squeeze %dma_wait3A_53 : memref<1x128xi32, #tpu.memory_space<vmem>> -> memref<128xi32, #tpu.memory_space<vmem>>
        %dma_wait3A_55 = arith.constant 0 : i32
        %dma_wait3A_56 = arith.constant 0 : i32
        %dma_wait3A_57 = tpu.memref_slice %arg3[%scan3A_37, %dma_wait3A_55, %dma_wait3A_56] : memref<2x20008x32xf32, #tpu.memory_space<hbm>> -> memref<1x20008x32xf32, #tpu.memory_space<hbm>>
        %dma_wait3A_58 = tpu.memref_squeeze %dma_wait3A_57 : memref<1x20008x32xf32, #tpu.memory_space<hbm>> -> memref<20008x32xf32, #tpu.memory_space<hbm>>
        %dma_wait3A_59 = arith.constant 0 : i32
        %dma_wait3A_60 = arith.constant 0 : i32
        %dma_wait3A_61 = tpu.memref_slice %dma_wait3A_58[%dma_wait3A_59, %dma_wait3A_60] : memref<20008x32xf32, #tpu.memory_space<hbm>> -> memref<20008x32xf32, #tpu.memory_space<hbm>>
        tpu.wait_indirect_dma semaphore(%arg12 : memref<!tpu.dma_semaphore, #tpu.memory_space<semaphore_mem>>) src(%dma_wait3A_61 : memref<20008x32xf32, #tpu.memory_space<hbm>>) dst(%arg10 : memref<128x32xf32, #tpu.memory_space<vmem>>)
        "tpu.region"() ({
          %run_scoped3A_62 = tpu.sem_alloc : memref<!tpu.dma_semaphore, #tpu.memory_space<semaphore_mem>>
          %dma_start3A_63 = arith.constant 0 : i32
          %dma_start3A_64 = tpu.memref_slice %arg9[%scan3A_43, %dma_start3A_63] : memref<320x128xi32, #tpu.memory_space<vmem>> -> memref<1x128xi32, #tpu.memory_space<vmem>>
          %dma_start3A_65 = tpu.memref_squeeze %dma_start3A_64 : memref<1x128xi32, #tpu.memory_space<vmem>> -> memref<128xi32, #tpu.memory_space<vmem>>
          %dma_start3A_66 = arith.constant 0 : i32
          %dma_start3A_67 = arith.constant 0 : i32
          %dma_start3A_68 = tpu.memref_slice %arg11[%dma_start3A_66, %dma_start3A_67] : memref<20480x32xf32, #tpu.memory_space<vmem_shared>> -> memref<20480x32xf32, #tpu.memory_space<vmem_shared>>
          tpu.enqueue_indirect_dma source(%arg10 : memref<128x32xf32, #tpu.memory_space<vmem>>) target(%dma_start3A_68 : memref<20480x32xf32, #tpu.memory_space<vmem_shared>>) offsets(%dma_start3A_65 : memref<128xi32, #tpu.memory_space<vmem>>) semaphore(%run_scoped3A_62 : memref<!tpu.dma_semaphore, #tpu.memory_space<semaphore_mem>>) {add = true}
          %dma_wait3A_69 = arith.constant 0 : i32
          %dma_wait3A_70 = tpu.memref_slice %arg9[%scan3A_43, %dma_wait3A_69] : memref<320x128xi32, #tpu.memory_space<vmem>> -> memref<1x128xi32, #tpu.memory_space<vmem>>
          %dma_wait3A_71 = tpu.memref_squeeze %dma_wait3A_70 : memref<1x128xi32, #tpu.memory_space<vmem>> -> memref<128xi32, #tpu.memory_space<vmem>>
          %dma_wait3A_72 = arith.constant 0 : i32
          %dma_wait3A_73 = arith.constant 0 : i32
          %dma_wait3A_74 = tpu.memref_slice %arg11[%dma_wait3A_72, %dma_wait3A_73] : memref<20480x32xf32, #tpu.memory_space<vmem_shared>> -> memref<20480x32xf32, #tpu.memory_space<vmem_shared>>
          tpu.wait_indirect_dma semaphore(%run_scoped3A_62 : memref<!tpu.dma_semaphore, #tpu.memory_space<semaphore_mem>>) src(%arg10 : memref<128x32xf32, #tpu.memory_space<vmem>>) dst(%dma_wait3A_74 : memref<20480x32xf32, #tpu.memory_space<vmem_shared>>)
          tpu.yield
        }) : () -> ()
      }
      %scan3A_42 = arith.constant 320 : i32
    } else {
    }
    %barrier3A_10 = arith.constant 0 : index
    tpu.barrier barrier_id(%barrier3A_10)
    %mul3A_11 = arith.constant 1280 : i32
    %mul3A_12 = arith.muli %arg1, %mul3A_11 : i32
    %mul3A_13 = arith.constant 1280 : i32
    %mul3A_14 = arith.muli %arg1, %mul3A_13 : i32
    %run_scoped3A = arith.constant 0 : i32
    "tpu.region"() ({
      %run_scoped3A_36 = tpu.sem_alloc : memref<!tpu.dma_semaphore, #tpu.memory_space<semaphore_mem>>
      %dma_start3A = arith.constant 0 : i32
      %dma_start3A_37 = tpu.memref_slice %arg7[%arg0, %run_scoped3A, %mul3A_14, %dma_start3A] : memref<2x2x20480x32xf32, #tpu.memory_space<hbm>> -> memref<1x1x1280x32xf32, #tpu.memory_space<hbm>>
      %dma_start3A_38 = tpu.memref_squeeze %dma_start3A_37 : memref<1x1x1280x32xf32, #tpu.memory_space<hbm>> -> memref<1280x32xf32, #tpu.memory_space<hbm>>
      %dma_start3A_39 = arith.constant 0 : i32
      %dma_start3A_40 = tpu.memref_slice %arg11[%mul3A_12, %dma_start3A_39] : memref<20480x32xf32, #tpu.memory_space<vmem_shared>> -> memref<1280x32xf32, #tpu.memory_space<vmem_shared>>
      tpu.enqueue_dma source(%dma_start3A_40 : memref<1280x32xf32, #tpu.memory_space<vmem_shared>>) target(%dma_start3A_38 : memref<1280x32xf32, #tpu.memory_space<hbm>>) target_semaphore(%run_scoped3A_36 : memref<!tpu.dma_semaphore, #tpu.memory_space<semaphore_mem>>)
      %dma_wait3A = arith.constant 0 : i32
      %dma_wait3A_41 = tpu.memref_slice %arg7[%arg0, %run_scoped3A, %mul3A_14, %dma_wait3A] : memref<2x2x20480x32xf32, #tpu.memory_space<hbm>> -> memref<1x1x1280x32xf32, #tpu.memory_space<hbm>>
      %dma_wait3A_42 = tpu.memref_squeeze %dma_wait3A_41 : memref<1x1x1280x32xf32, #tpu.memory_space<hbm>> -> memref<1280x32xf32, #tpu.memory_space<hbm>>
      %dma_wait3A_43 = arith.constant 0 : i32
      %dma_wait3A_44 = tpu.memref_slice %arg11[%mul3A_12, %dma_wait3A_43] : memref<20480x32xf32, #tpu.memory_space<vmem_shared>> -> memref<1280x32xf32, #tpu.memory_space<vmem_shared>>
      tpu.wait_dma2 semaphore(%run_scoped3A_36 : memref<!tpu.dma_semaphore, #tpu.memory_space<semaphore_mem>>) src(%dma_wait3A_44 : memref<1280x32xf32, #tpu.memory_space<vmem_shared>>) dst(%dma_wait3A_42 : memref<1280x32xf32, #tpu.memory_space<hbm>>)
      tpu.yield
    }) : () -> ()
    %barrier3A_15 = arith.constant 0 : index
    tpu.barrier barrier_id(%barrier3A_15)
    %mul3A_16 = arith.constant 1280 : i32
    %mul3A_17 = arith.muli %arg1, %mul3A_16 : i32
    "tpu.region"() ({
      %run_scoped3A_36 = tpu.sem_alloc : memref<!tpu.dma_semaphore, #tpu.memory_space<semaphore_mem>>
      %dma_start3A = arith.constant 0 : i32
      %dma_start3A_37 = tpu.memref_slice %arg11[%mul3A_17, %dma_start3A] : memref<20480x32xf32, #tpu.memory_space<vmem_shared>> -> memref<1280x32xf32, #tpu.memory_space<vmem_shared>>
      tpu.enqueue_dma source(%arg6 : memref<1280x32xf32, #tpu.memory_space<hbm>>) target(%dma_start3A_37 : memref<1280x32xf32, #tpu.memory_space<vmem_shared>>) target_semaphore(%run_scoped3A_36 : memref<!tpu.dma_semaphore, #tpu.memory_space<semaphore_mem>>)
      %dma_wait3A = arith.constant 0 : i32
      %dma_wait3A_38 = tpu.memref_slice %arg11[%mul3A_17, %dma_wait3A] : memref<20480x32xf32, #tpu.memory_space<vmem_shared>> -> memref<1280x32xf32, #tpu.memory_space<vmem_shared>>
      tpu.wait_dma2 semaphore(%run_scoped3A_36 : memref<!tpu.dma_semaphore, #tpu.memory_space<semaphore_mem>>) src(%arg6 : memref<1280x32xf32, #tpu.memory_space<hbm>>) dst(%dma_wait3A_38 : memref<1280x32xf32, #tpu.memory_space<vmem_shared>>)
      tpu.yield
    }) : () -> ()
    %barrier3A_18 = arith.constant 0 : index
    tpu.barrier barrier_id(%barrier3A_18)
    %eq3A_19 = arith.constant 0 : i32
    %eq3A_20 = arith.cmpi eq, %arg0, %eq3A_19 : i32
    %convert_element_type3A_21 = arith.extui %eq3A_20 : i1 to i32
    %cond3A_22 = arith.constant 0 : i32
    %cond3A_23 = arith.cmpi ne, %convert_element_type3A_21, %cond3A_22 : i32
    scf.if %cond3A_23 {
      %run_scoped3A_36 = arith.constant 0 : i32
      "tpu.region"() ({
        %run_scoped3A_43 = tpu.sem_alloc : memref<!tpu.dma_semaphore, #tpu.memory_space<semaphore_mem>>
        %dma_start3A = arith.constant 0 : i32
        %dma_start3A_44 = arith.constant 0 : i32
        %dma_start3A_45 = tpu.memref_slice %arg5[%run_scoped3A_36, %dma_start3A, %dma_start3A_44] : memref<1x5120x128xi32, #tpu.memory_space<hbm>> -> memref<1x5120x128xi32, #tpu.memory_space<hbm>>
        %dma_start3A_46 = tpu.memref_squeeze %dma_start3A_45 : memref<1x5120x128xi32, #tpu.memory_space<hbm>> -> memref<5120x128xi32, #tpu.memory_space<hbm>>
        %dma_start3A_47 = arith.constant 0 : i32
        %dma_start3A_48 = tpu.memref_slice %dma_start3A_46[%mul3A_0, %dma_start3A_47] : memref<5120x128xi32, #tpu.memory_space<hbm>> -> memref<320x128xi32, #tpu.memory_space<hbm>>
        %dma_start3A_49 = arith.constant 0 : i32
        %dma_start3A_50 = arith.constant 0 : i32
        %dma_start3A_51 = tpu.memref_slice %arg5[%run_scoped3A_36, %dma_start3A_49, %dma_start3A_50] : memref<1x5120x128xi32, #tpu.memory_space<hbm>> -> memref<1x5120x128xi32, #tpu.memory_space<hbm>>
        %dma_start3A_52 = tpu.memref_squeeze %dma_start3A_51 : memref<1x5120x128xi32, #tpu.memory_space<hbm>> -> memref<5120x128xi32, #tpu.memory_space<hbm>>
        %dma_start3A_53 = arith.constant 0 : i32
        %dma_start3A_54 = tpu.memref_slice %dma_start3A_52[%mul3A_0, %dma_start3A_53] : memref<5120x128xi32, #tpu.memory_space<hbm>> -> memref<320x128xi32, #tpu.memory_space<hbm>>
        tpu.enqueue_dma source(%dma_start3A_54 : memref<320x128xi32, #tpu.memory_space<hbm>>) target(%arg9 : memref<320x128xi32, #tpu.memory_space<vmem>>) target_semaphore(%run_scoped3A_43 : memref<!tpu.dma_semaphore, #tpu.memory_space<semaphore_mem>>)
        %dma_wait3A = arith.constant 0 : i32
        %dma_wait3A_55 = arith.constant 0 : i32
        %dma_wait3A_56 = tpu.memref_slice %arg5[%run_scoped3A_36, %dma_wait3A, %dma_wait3A_55] : memref<1x5120x128xi32, #tpu.memory_space<hbm>> -> memref<1x5120x128xi32, #tpu.memory_space<hbm>>
        %dma_wait3A_57 = tpu.memref_squeeze %dma_wait3A_56 : memref<1x5120x128xi32, #tpu.memory_space<hbm>> -> memref<5120x128xi32, #tpu.memory_space<hbm>>
        %dma_wait3A_58 = arith.constant 0 : i32
        %dma_wait3A_59 = tpu.memref_slice %dma_wait3A_57[%mul3A_0, %dma_wait3A_58] : memref<5120x128xi32, #tpu.memory_space<hbm>> -> memref<320x128xi32, #tpu.memory_space<hbm>>
        %dma_wait3A_60 = arith.constant 0 : i32
        %dma_wait3A_61 = arith.constant 0 : i32
        %dma_wait3A_62 = tpu.memref_slice %arg5[%run_scoped3A_36, %dma_wait3A_60, %dma_wait3A_61] : memref<1x5120x128xi32, #tpu.memory_space<hbm>> -> memref<1x5120x128xi32, #tpu.memory_space<hbm>>
        %dma_wait3A_63 = tpu.memref_squeeze %dma_wait3A_62 : memref<1x5120x128xi32, #tpu.memory_space<hbm>> -> memref<5120x128xi32, #tpu.memory_space<hbm>>
        %dma_wait3A_64 = arith.constant 0 : i32
        %dma_wait3A_65 = tpu.memref_slice %dma_wait3A_63[%mul3A_0, %dma_wait3A_64] : memref<5120x128xi32, #tpu.memory_space<hbm>> -> memref<320x128xi32, #tpu.memory_space<hbm>>
        tpu.wait_dma2 semaphore(%run_scoped3A_43 : memref<!tpu.dma_semaphore, #tpu.memory_space<semaphore_mem>>) src(%dma_wait3A_65 : memref<320x128xi32, #tpu.memory_space<hbm>>) dst(%arg9 : memref<320x128xi32, #tpu.memory_space<vmem>>)
        tpu.yield
      }) : () -> ()
      %scan3A = arith.constant 0 : i32
      %scan3A_37 = arith.constant 1 : i32
      %scan3A_38 = arith.constant 0 : i32
      %scan3A_39 = arith.constant 320 : i32
      %scan3A_40 = arith.addi %scan3A_38, %scan3A_39 : i32
      %scan3A_41 = arith.constant 1 : i32
      scf.for %scan3A_43 = %scan3A_38 to %scan3A_40 step %scan3A_41  : i32 {
        %dma_start3A = arith.constant 0 : i32
        %dma_start3A_44 = tpu.memref_slice %arg8[%scan3A_43, %dma_start3A] : memref<320x128xi32, #tpu.memory_space<vmem>> -> memref<1x128xi32, #tpu.memory_space<vmem>>
        %dma_start3A_45 = tpu.memref_squeeze %dma_start3A_44 : memref<1x128xi32, #tpu.memory_space<vmem>> -> memref<128xi32, #tpu.memory_space<vmem>>
        %dma_start3A_46 = arith.constant 0 : i32
        %dma_start3A_47 = arith.constant 0 : i32
        %dma_start3A_48 = tpu.memref_slice %arg2[%scan3A_37, %dma_start3A_46, %dma_start3A_47] : memref<2x20008x32xf32, #tpu.memory_space<hbm>> -> memref<1x20008x32xf32, #tpu.memory_space<hbm>>
        %dma_start3A_49 = tpu.memref_squeeze %dma_start3A_48 : memref<1x20008x32xf32, #tpu.memory_space<hbm>> -> memref<20008x32xf32, #tpu.memory_space<hbm>>
        %dma_start3A_50 = arith.constant 0 : i32
        %dma_start3A_51 = arith.constant 0 : i32
        %dma_start3A_52 = tpu.memref_slice %dma_start3A_49[%dma_start3A_50, %dma_start3A_51] : memref<20008x32xf32, #tpu.memory_space<hbm>> -> memref<20008x32xf32, #tpu.memory_space<hbm>>
        tpu.enqueue_indirect_dma source(%dma_start3A_52 : memref<20008x32xf32, #tpu.memory_space<hbm>>) target(%arg10 : memref<128x32xf32, #tpu.memory_space<vmem>>) offsets(%dma_start3A_45 : memref<128xi32, #tpu.memory_space<vmem>>) semaphore(%arg12 : memref<!tpu.dma_semaphore, #tpu.memory_space<semaphore_mem>>)
        %dma_wait3A = arith.constant 0 : i32
        %dma_wait3A_53 = tpu.memref_slice %arg8[%scan3A_43, %dma_wait3A] : memref<320x128xi32, #tpu.memory_space<vmem>> -> memref<1x128xi32, #tpu.memory_space<vmem>>
        %dma_wait3A_54 = tpu.memref_squeeze %dma_wait3A_53 : memref<1x128xi32, #tpu.memory_space<vmem>> -> memref<128xi32, #tpu.memory_space<vmem>>
        %dma_wait3A_55 = arith.constant 0 : i32
        %dma_wait3A_56 = arith.constant 0 : i32
        %dma_wait3A_57 = tpu.memref_slice %arg2[%scan3A_37, %dma_wait3A_55, %dma_wait3A_56] : memref<2x20008x32xf32, #tpu.memory_space<hbm>> -> memref<1x20008x32xf32, #tpu.memory_space<hbm>>
        %dma_wait3A_58 = tpu.memref_squeeze %dma_wait3A_57 : memref<1x20008x32xf32, #tpu.memory_space<hbm>> -> memref<20008x32xf32, #tpu.memory_space<hbm>>
        %dma_wait3A_59 = arith.constant 0 : i32
        %dma_wait3A_60 = arith.constant 0 : i32
        %dma_wait3A_61 = tpu.memref_slice %dma_wait3A_58[%dma_wait3A_59, %dma_wait3A_60] : memref<20008x32xf32, #tpu.memory_space<hbm>> -> memref<20008x32xf32, #tpu.memory_space<hbm>>
        tpu.wait_indirect_dma semaphore(%arg12 : memref<!tpu.dma_semaphore, #tpu.memory_space<semaphore_mem>>) src(%dma_wait3A_61 : memref<20008x32xf32, #tpu.memory_space<hbm>>) dst(%arg10 : memref<128x32xf32, #tpu.memory_space<vmem>>)
        "tpu.region"() ({
          %run_scoped3A_62 = tpu.sem_alloc : memref<!tpu.dma_semaphore, #tpu.memory_space<semaphore_mem>>
          %dma_start3A_63 = arith.constant 0 : i32
          %dma_start3A_64 = tpu.memref_slice %arg9[%scan3A_43, %dma_start3A_63] : memref<320x128xi32, #tpu.memory_space<vmem>> -> memref<1x128xi32, #tpu.memory_space<vmem>>
          %dma_start3A_65 = tpu.memref_squeeze %dma_start3A_64 : memref<1x128xi32, #tpu.memory_space<vmem>> -> memref<128xi32, #tpu.memory_space<vmem>>
          %dma_start3A_66 = arith.constant 0 : i32
          %dma_start3A_67 = arith.constant 0 : i32
          %dma_start3A_68 = tpu.memref_slice %arg11[%dma_start3A_66, %dma_start3A_67] : memref<20480x32xf32, #tpu.memory_space<vmem_shared>> -> memref<20480x32xf32, #tpu.memory_space<vmem_shared>>
          tpu.enqueue_indirect_dma source(%arg10 : memref<128x32xf32, #tpu.memory_space<vmem>>) target(%dma_start3A_68 : memref<20480x32xf32, #tpu.memory_space<vmem_shared>>) offsets(%dma_start3A_65 : memref<128xi32, #tpu.memory_space<vmem>>) semaphore(%run_scoped3A_62 : memref<!tpu.dma_semaphore, #tpu.memory_space<semaphore_mem>>) {add = true}
          %dma_wait3A_69 = arith.constant 0 : i32
          %dma_wait3A_70 = tpu.memref_slice %arg9[%scan3A_43, %dma_wait3A_69] : memref<320x128xi32, #tpu.memory_space<vmem>> -> memref<1x128xi32, #tpu.memory_space<vmem>>
          %dma_wait3A_71 = tpu.memref_squeeze %dma_wait3A_70 : memref<1x128xi32, #tpu.memory_space<vmem>> -> memref<128xi32, #tpu.memory_space<vmem>>
          %dma_wait3A_72 = arith.constant 0 : i32
          %dma_wait3A_73 = arith.constant 0 : i32
          %dma_wait3A_74 = tpu.memref_slice %arg11[%dma_wait3A_72, %dma_wait3A_73] : memref<20480x32xf32, #tpu.memory_space<vmem_shared>> -> memref<20480x32xf32, #tpu.memory_space<vmem_shared>>
          tpu.wait_indirect_dma semaphore(%run_scoped3A_62 : memref<!tpu.dma_semaphore, #tpu.memory_space<semaphore_mem>>) src(%arg10 : memref<128x32xf32, #tpu.memory_space<vmem>>) dst(%dma_wait3A_74 : memref<20480x32xf32, #tpu.memory_space<vmem_shared>>)
          tpu.yield
        }) : () -> ()
      }
      %scan3A_42 = arith.constant 320 : i32
    } else {
    }
    %eq3A_24 = arith.constant 1 : i32
    %eq3A_25 = arith.cmpi eq, %arg0, %eq3A_24 : i32
    %convert_element_type3A_26 = arith.extui %eq3A_25 : i1 to i32
    %cond3A_27 = arith.constant 0 : i32
    %cond3A_28 = arith.cmpi ne, %convert_element_type3A_26, %cond3A_27 : i32
    scf.if %cond3A_28 {
      %run_scoped3A_36 = arith.constant 0 : i32
      "tpu.region"() ({
        %run_scoped3A_43 = tpu.sem_alloc : memref<!tpu.dma_semaphore, #tpu.memory_space<semaphore_mem>>
        %dma_start3A = arith.constant 0 : i32
        %dma_start3A_44 = arith.constant 0 : i32
        %dma_start3A_45 = tpu.memref_slice %arg5[%run_scoped3A_36, %dma_start3A, %dma_start3A_44] : memref<1x5120x128xi32, #tpu.memory_space<hbm>> -> memref<1x5120x128xi32, #tpu.memory_space<hbm>>
        %dma_start3A_46 = tpu.memref_squeeze %dma_start3A_45 : memref<1x5120x128xi32, #tpu.memory_space<hbm>> -> memref<5120x128xi32, #tpu.memory_space<hbm>>
        %dma_start3A_47 = arith.constant 0 : i32
        %dma_start3A_48 = tpu.memref_slice %dma_start3A_46[%mul3A_0, %dma_start3A_47] : memref<5120x128xi32, #tpu.memory_space<hbm>> -> memref<320x128xi32, #tpu.memory_space<hbm>>
        %dma_start3A_49 = arith.constant 0 : i32
        %dma_start3A_50 = arith.constant 0 : i32
        %dma_start3A_51 = tpu.memref_slice %arg5[%run_scoped3A_36, %dma_start3A_49, %dma_start3A_50] : memref<1x5120x128xi32, #tpu.memory_space<hbm>> -> memref<1x5120x128xi32, #tpu.memory_space<hbm>>
        %dma_start3A_52 = tpu.memref_squeeze %dma_start3A_51 : memref<1x5120x128xi32, #tpu.memory_space<hbm>> -> memref<5120x128xi32, #tpu.memory_space<hbm>>
        %dma_start3A_53 = arith.constant 0 : i32
        %dma_start3A_54 = tpu.memref_slice %dma_start3A_52[%mul3A_0, %dma_start3A_53] : memref<5120x128xi32, #tpu.memory_space<hbm>> -> memref<320x128xi32, #tpu.memory_space<hbm>>
        tpu.enqueue_dma source(%dma_start3A_54 : memref<320x128xi32, #tpu.memory_space<hbm>>) target(%arg9 : memref<320x128xi32, #tpu.memory_space<vmem>>) target_semaphore(%run_scoped3A_43 : memref<!tpu.dma_semaphore, #tpu.memory_space<semaphore_mem>>)
        %dma_wait3A = arith.constant 0 : i32
        %dma_wait3A_55 = arith.constant 0 : i32
        %dma_wait3A_56 = tpu.memref_slice %arg5[%run_scoped3A_36, %dma_wait3A, %dma_wait3A_55] : memref<1x5120x128xi32, #tpu.memory_space<hbm>> -> memref<1x5120x128xi32, #tpu.memory_space<hbm>>
        %dma_wait3A_57 = tpu.memref_squeeze %dma_wait3A_56 : memref<1x5120x128xi32, #tpu.memory_space<hbm>> -> memref<5120x128xi32, #tpu.memory_space<hbm>>
        %dma_wait3A_58 = arith.constant 0 : i32
        %dma_wait3A_59 = tpu.memref_slice %dma_wait3A_57[%mul3A_0, %dma_wait3A_58] : memref<5120x128xi32, #tpu.memory_space<hbm>> -> memref<320x128xi32, #tpu.memory_space<hbm>>
        %dma_wait3A_60 = arith.constant 0 : i32
        %dma_wait3A_61 = arith.constant 0 : i32
        %dma_wait3A_62 = tpu.memref_slice %arg5[%run_scoped3A_36, %dma_wait3A_60, %dma_wait3A_61] : memref<1x5120x128xi32, #tpu.memory_space<hbm>> -> memref<1x5120x128xi32, #tpu.memory_space<hbm>>
        %dma_wait3A_63 = tpu.memref_squeeze %dma_wait3A_62 : memref<1x5120x128xi32, #tpu.memory_space<hbm>> -> memref<5120x128xi32, #tpu.memory_space<hbm>>
        %dma_wait3A_64 = arith.constant 0 : i32
        %dma_wait3A_65 = tpu.memref_slice %dma_wait3A_63[%mul3A_0, %dma_wait3A_64] : memref<5120x128xi32, #tpu.memory_space<hbm>> -> memref<320x128xi32, #tpu.memory_space<hbm>>
        tpu.wait_dma2 semaphore(%run_scoped3A_43 : memref<!tpu.dma_semaphore, #tpu.memory_space<semaphore_mem>>) src(%dma_wait3A_65 : memref<320x128xi32, #tpu.memory_space<hbm>>) dst(%arg9 : memref<320x128xi32, #tpu.memory_space<vmem>>)
        tpu.yield
      }) : () -> ()
      %scan3A = arith.constant 0 : i32
      %scan3A_37 = arith.constant 1 : i32
      %scan3A_38 = arith.constant 0 : i32
      %scan3A_39 = arith.constant 320 : i32
      %scan3A_40 = arith.addi %scan3A_38, %scan3A_39 : i32
      %scan3A_41 = arith.constant 1 : i32
      scf.for %scan3A_43 = %scan3A_38 to %scan3A_40 step %scan3A_41  : i32 {
        %dma_start3A = arith.constant 0 : i32
        %dma_start3A_44 = tpu.memref_slice %arg8[%scan3A_43, %dma_start3A] : memref<320x128xi32, #tpu.memory_space<vmem>> -> memref<1x128xi32, #tpu.memory_space<vmem>>
        %dma_start3A_45 = tpu.memref_squeeze %dma_start3A_44 : memref<1x128xi32, #tpu.memory_space<vmem>> -> memref<128xi32, #tpu.memory_space<vmem>>
        %dma_start3A_46 = arith.constant 0 : i32
        %dma_start3A_47 = arith.constant 0 : i32
        %dma_start3A_48 = tpu.memref_slice %arg3[%scan3A_37, %dma_start3A_46, %dma_start3A_47] : memref<2x20008x32xf32, #tpu.memory_space<hbm>> -> memref<1x20008x32xf32, #tpu.memory_space<hbm>>
        %dma_start3A_49 = tpu.memref_squeeze %dma_start3A_48 : memref<1x20008x32xf32, #tpu.memory_space<hbm>> -> memref<20008x32xf32, #tpu.memory_space<hbm>>
        %dma_start3A_50 = arith.constant 0 : i32
        %dma_start3A_51 = arith.constant 0 : i32
        %dma_start3A_52 = tpu.memref_slice %dma_start3A_49[%dma_start3A_50, %dma_start3A_51] : memref<20008x32xf32, #tpu.memory_space<hbm>> -> memref<20008x32xf32, #tpu.memory_space<hbm>>
        tpu.enqueue_indirect_dma source(%dma_start3A_52 : memref<20008x32xf32, #tpu.memory_space<hbm>>) target(%arg10 : memref<128x32xf32, #tpu.memory_space<vmem>>) offsets(%dma_start3A_45 : memref<128xi32, #tpu.memory_space<vmem>>) semaphore(%arg12 : memref<!tpu.dma_semaphore, #tpu.memory_space<semaphore_mem>>)
        %dma_wait3A = arith.constant 0 : i32
        %dma_wait3A_53 = tpu.memref_slice %arg8[%scan3A_43, %dma_wait3A] : memref<320x128xi32, #tpu.memory_space<vmem>> -> memref<1x128xi32, #tpu.memory_space<vmem>>
        %dma_wait3A_54 = tpu.memref_squeeze %dma_wait3A_53 : memref<1x128xi32, #tpu.memory_space<vmem>> -> memref<128xi32, #tpu.memory_space<vmem>>
        %dma_wait3A_55 = arith.constant 0 : i32
        %dma_wait3A_56 = arith.constant 0 : i32
        %dma_wait3A_57 = tpu.memref_slice %arg3[%scan3A_37, %dma_wait3A_55, %dma_wait3A_56] : memref<2x20008x32xf32, #tpu.memory_space<hbm>> -> memref<1x20008x32xf32, #tpu.memory_space<hbm>>
        %dma_wait3A_58 = tpu.memref_squeeze %dma_wait3A_57 : memref<1x20008x32xf32, #tpu.memory_space<hbm>> -> memref<20008x32xf32, #tpu.memory_space<hbm>>
        %dma_wait3A_59 = arith.constant 0 : i32
        %dma_wait3A_60 = arith.constant 0 : i32
        %dma_wait3A_61 = tpu.memref_slice %dma_wait3A_58[%dma_wait3A_59, %dma_wait3A_60] : memref<20008x32xf32, #tpu.memory_space<hbm>> -> memref<20008x32xf32, #tpu.memory_space<hbm>>
        tpu.wait_indirect_dma semaphore(%arg12 : memref<!tpu.dma_semaphore, #tpu.memory_space<semaphore_mem>>) src(%dma_wait3A_61 : memref<20008x32xf32, #tpu.memory_space<hbm>>) dst(%arg10 : memref<128x32xf32, #tpu.memory_space<vmem>>)
        "tpu.region"() ({
          %run_scoped3A_62 = tpu.sem_alloc : memref<!tpu.dma_semaphore, #tpu.memory_space<semaphore_mem>>
          %dma_start3A_63 = arith.constant 0 : i32
          %dma_start3A_64 = tpu.memref_slice %arg9[%scan3A_43, %dma_start3A_63] : memref<320x128xi32, #tpu.memory_space<vmem>> -> memref<1x128xi32, #tpu.memory_space<vmem>>
          %dma_start3A_65 = tpu.memref_squeeze %dma_start3A_64 : memref<1x128xi32, #tpu.memory_space<vmem>> -> memref<128xi32, #tpu.memory_space<vmem>>
          %dma_start3A_66 = arith.constant 0 : i32
          %dma_start3A_67 = arith.constant 0 : i32
          %dma_start3A_68 = tpu.memref_slice %arg11[%dma_start3A_66, %dma_start3A_67] : memref<20480x32xf32, #tpu.memory_space<vmem_shared>> -> memref<20480x32xf32, #tpu.memory_space<vmem_shared>>
          tpu.enqueue_indirect_dma source(%arg10 : memref<128x32xf32, #tpu.memory_space<vmem>>) target(%dma_start3A_68 : memref<20480x32xf32, #tpu.memory_space<vmem_shared>>) offsets(%dma_start3A_65 : memref<128xi32, #tpu.memory_space<vmem>>) semaphore(%run_scoped3A_62 : memref<!tpu.dma_semaphore, #tpu.memory_space<semaphore_mem>>) {add = true}
          %dma_wait3A_69 = arith.constant 0 : i32
          %dma_wait3A_70 = tpu.memref_slice %arg9[%scan3A_43, %dma_wait3A_69] : memref<320x128xi32, #tpu.memory_space<vmem>> -> memref<1x128xi32, #tpu.memory_space<vmem>>
          %dma_wait3A_71 = tpu.memref_squeeze %dma_wait3A_70 : memref<1x128xi32, #tpu.memory_space<vmem>> -> memref<128xi32, #tpu.memory_space<vmem>>
          %dma_wait3A_72 = arith.constant 0 : i32
          %dma_wait3A_73 = arith.constant 0 : i32
          %dma_wait3A_74 = tpu.memref_slice %arg11[%dma_wait3A_72, %dma_wait3A_73] : memref<20480x32xf32, #tpu.memory_space<vmem_shared>> -> memref<20480x32xf32, #tpu.memory_space<vmem_shared>>
          tpu.wait_indirect_dma semaphore(%run_scoped3A_62 : memref<!tpu.dma_semaphore, #tpu.memory_space<semaphore_mem>>) src(%arg10 : memref<128x32xf32, #tpu.memory_space<vmem>>) dst(%dma_wait3A_74 : memref<20480x32xf32, #tpu.memory_space<vmem_shared>>)
          tpu.yield
        }) : () -> ()
      }
      %scan3A_42 = arith.constant 320 : i32
    } else {
    }
    %barrier3A_29 = arith.constant 0 : index
    tpu.barrier barrier_id(%barrier3A_29)
    %mul3A_30 = arith.constant 1280 : i32
    %mul3A_31 = arith.muli %arg1, %mul3A_30 : i32
    %mul3A_32 = arith.constant 1280 : i32
    %mul3A_33 = arith.muli %arg1, %mul3A_32 : i32
    %run_scoped3A_34 = arith.constant 1 : i32
    "tpu.region"() ({
      %run_scoped3A_36 = tpu.sem_alloc : memref<!tpu.dma_semaphore, #tpu.memory_space<semaphore_mem>>
      %dma_start3A = arith.constant 0 : i32
      %dma_start3A_37 = tpu.memref_slice %arg7[%arg0, %run_scoped3A_34, %mul3A_33, %dma_start3A] : memref<2x2x20480x32xf32, #tpu.memory_space<hbm>> -> memref<1x1x1280x32xf32, #tpu.memory_space<hbm>>
      %dma_start3A_38 = tpu.memref_squeeze %dma_start3A_37 : memref<1x1x1280x32xf32, #tpu.memory_space<hbm>> -> memref<1280x32xf32, #tpu.memory_space<hbm>>
      %dma_start3A_39 = arith.constant 0 : i32
      %dma_start3A_40 = tpu.memref_slice %arg11[%mul3A_31, %dma_start3A_39] : memref<20480x32xf32, #tpu.memory_space<vmem_shared>> -> memref<1280x32xf32, #tpu.memory_space<vmem_shared>>
      tpu.enqueue_dma source(%dma_start3A_40 : memref<1280x32xf32, #tpu.memory_space<vmem_shared>>) target(%dma_start3A_38 : memref<1280x32xf32, #tpu.memory_space<hbm>>) target_semaphore(%run_scoped3A_36 : memref<!tpu.dma_semaphore, #tpu.memory_space<semaphore_mem>>)
      %dma_wait3A = arith.constant 0 : i32
      %dma_wait3A_41 = tpu.memref_slice %arg7[%arg0, %run_scoped3A_34, %mul3A_33, %dma_wait3A] : memref<2x2x20480x32xf32, #tpu.memory_space<hbm>> -> memref<1x1x1280x32xf32, #tpu.memory_space<hbm>>
      %dma_wait3A_42 = tpu.memref_squeeze %dma_wait3A_41 : memref<1x1x1280x32xf32, #tpu.memory_space<hbm>> -> memref<1280x32xf32, #tpu.memory_space<hbm>>
      %dma_wait3A_43 = arith.constant 0 : i32
      %dma_wait3A_44 = tpu.memref_slice %arg11[%mul3A_31, %dma_wait3A_43] : memref<20480x32xf32, #tpu.memory_space<vmem_shared>> -> memref<1280x32xf32, #tpu.memory_space<vmem_shared>>
      tpu.wait_dma2 semaphore(%run_scoped3A_36 : memref<!tpu.dma_semaphore, #tpu.memory_space<semaphore_mem>>) src(%dma_wait3A_44 : memref<1280x32xf32, #tpu.memory_space<vmem_shared>>) dst(%dma_wait3A_42 : memref<1280x32xf32, #tpu.memory_space<hbm>>)
      tpu.yield
    }) : () -> ()
    %barrier3A_35 = arith.constant 0 : index
    tpu.barrier barrier_id(%barrier3A_35)
    return
  }
}

#map = affine_map<(d0, d1) -> (0, 0, 0)>
#map1 = affine_map<(d0, d1) -> (0, 0)>
#map2 = affine_map<(d0, d1) -> (0, 0, 0, 0)>
module attributes {stable_mosaic.version = 14 : i64} {
  func.func @k(%arg0: i32, %arg1: i32, %arg2: memref<1x20008x16xf32, #tpu.memory_space<hbm>>, %arg3: memref<1x20008x16xf32, #tpu.memory_space<hbm>>, %arg4: memref<5120x128xi32, #tpu.memory_space<hbm>>, %arg5: memref<1x5120x128xi32, #tpu.memory_space<hbm>>, %arg6: memref<1280x16xf32, #tpu.memory_space<hbm>>, %arg7: memref<2x1x20480x16xf32, #tpu.memory_space<hbm>>, %arg8: memref<160x128xi32, #tpu.memory_space<vmem>>, %arg9: memref<160x128xi32, #tpu.memory_space<vmem>>, %arg10: memref<128x16xf32, #tpu.memory_space<vmem>>, %arg11: memref<20480x16xf32, #tpu.memory_space<vmem_shared>>, %arg12: memref<!tpu.dma_semaphore, #tpu.memory_space<semaphore_mem>>) attributes {dimension_semantics = [#tpu.dimension_semantics<core_parallel>, #tpu.dimension_semantics<subcore_parallel>], iteration_bounds = array<i64: 2, 16>, scalar_prefetch = 0 : i64, scratch_operands = 5 : i64, tpu.core_type = #tpu.core_type<sc_vector_subcore>, window_params = [{transform_indices = #map}, {transform_indices = #map}, {transform_indices = #map1}, {transform_indices = #map}, {transform_indices = #map1}, {transform_indices = #map2}]} {
    %mul3A = arith.constant 2 : i32
    %mul3A_0 = arith.muli %arg1, %mul3A : i32
    %add3A = arith.addi %mul3A_0, %arg0 : i32
    %mul3A_1 = arith.constant 160 : i32
    %mul3A_2 = arith.muli %add3A, %mul3A_1 : i32
    "tpu.region"() ({
      %run_scoped3A_18 = tpu.sem_alloc : memref<!tpu.dma_semaphore, #tpu.memory_space<semaphore_mem>>
      %dma_start3A = arith.constant 0 : i32
      %dma_start3A_19 = tpu.memref_slice %arg4[%mul3A_2, %dma_start3A] : memref<5120x128xi32, #tpu.memory_space<hbm>> -> memref<160x128xi32, #tpu.memory_space<hbm>>
      %dma_start3A_20 = arith.constant 0 : i32
      %dma_start3A_21 = tpu.memref_slice %arg4[%mul3A_2, %dma_start3A_20] : memref<5120x128xi32, #tpu.memory_space<hbm>> -> memref<160x128xi32, #tpu.memory_space<hbm>>
      tpu.enqueue_dma source(%dma_start3A_21 : memref<160x128xi32, #tpu.memory_space<hbm>>) target(%arg8 : memref<160x128xi32, #tpu.memory_space<vmem>>) target_semaphore(%run_scoped3A_18 : memref<!tpu.dma_semaphore, #tpu.memory_space<semaphore_mem>>)
      %dma_wait3A = arith.constant 0 : i32
      %dma_wait3A_22 = tpu.memref_slice %arg4[%mul3A_2, %dma_wait3A] : memref<5120x128xi32, #tpu.memory_space<hbm>> -> memref<160x128xi32, #tpu.memory_space<hbm>>
      %dma_wait3A_23 = arith.constant 0 : i32
      %dma_wait3A_24 = tpu.memref_slice %arg4[%mul3A_2, %dma_wait3A_23] : memref<5120x128xi32, #tpu.memory_space<hbm>> -> memref<160x128xi32, #tpu.memory_space<hbm>>
      tpu.wait_dma2 semaphore(%run_scoped3A_18 : memref<!tpu.dma_semaphore, #tpu.memory_space<semaphore_mem>>) src(%dma_wait3A_24 : memref<160x128xi32, #tpu.memory_space<hbm>>) dst(%arg8 : memref<160x128xi32, #tpu.memory_space<vmem>>)
      tpu.yield
    }) : () -> ()
    %mul3A_3 = arith.constant 1280 : i32
    %mul3A_4 = arith.muli %arg1, %mul3A_3 : i32
    "tpu.region"() ({
      %run_scoped3A_18 = tpu.sem_alloc : memref<!tpu.dma_semaphore, #tpu.memory_space<semaphore_mem>>
      %dma_start3A = arith.constant 0 : i32
      %dma_start3A_19 = tpu.memref_slice %arg11[%mul3A_4, %dma_start3A] : memref<20480x16xf32, #tpu.memory_space<vmem_shared>> -> memref<1280x16xf32, #tpu.memory_space<vmem_shared>>
      tpu.enqueue_dma source(%arg6 : memref<1280x16xf32, #tpu.memory_space<hbm>>) target(%dma_start3A_19 : memref<1280x16xf32, #tpu.memory_space<vmem_shared>>) target_semaphore(%run_scoped3A_18 : memref<!tpu.dma_semaphore, #tpu.memory_space<semaphore_mem>>)
      %dma_wait3A = arith.constant 0 : i32
      %dma_wait3A_20 = tpu.memref_slice %arg11[%mul3A_4, %dma_wait3A] : memref<20480x16xf32, #tpu.memory_space<vmem_shared>> -> memref<1280x16xf32, #tpu.memory_space<vmem_shared>>
      tpu.wait_dma2 semaphore(%run_scoped3A_18 : memref<!tpu.dma_semaphore, #tpu.memory_space<semaphore_mem>>) src(%arg6 : memref<1280x16xf32, #tpu.memory_space<hbm>>) dst(%dma_wait3A_20 : memref<1280x16xf32, #tpu.memory_space<vmem_shared>>)
      tpu.yield
    }) : () -> ()
    %barrier3A = arith.constant 0 : index
    tpu.barrier barrier_id(%barrier3A)
    %eq3A = arith.constant 0 : i32
    %eq3A_5 = arith.cmpi eq, %arg0, %eq3A : i32
    %convert_element_type3A = arith.extui %eq3A_5 : i1 to i32
    %cond3A = arith.constant 0 : i32
    %cond3A_6 = arith.cmpi ne, %convert_element_type3A, %cond3A : i32
    scf.if %cond3A_6 {
      %run_scoped3A_18 = arith.constant 0 : i32
      "tpu.region"() ({
        %run_scoped3A_25 = tpu.sem_alloc : memref<!tpu.dma_semaphore, #tpu.memory_space<semaphore_mem>>
        %dma_start3A = arith.constant 0 : i32
        %dma_start3A_26 = arith.constant 0 : i32
        %dma_start3A_27 = tpu.memref_slice %arg5[%run_scoped3A_18, %dma_start3A, %dma_start3A_26] : memref<1x5120x128xi32, #tpu.memory_space<hbm>> -> memref<1x5120x128xi32, #tpu.memory_space<hbm>>
        %dma_start3A_28 = tpu.memref_squeeze %dma_start3A_27 : memref<1x5120x128xi32, #tpu.memory_space<hbm>> -> memref<5120x128xi32, #tpu.memory_space<hbm>>
        %dma_start3A_29 = arith.constant 0 : i32
        %dma_start3A_30 = tpu.memref_slice %dma_start3A_28[%mul3A_2, %dma_start3A_29] : memref<5120x128xi32, #tpu.memory_space<hbm>> -> memref<160x128xi32, #tpu.memory_space<hbm>>
        %dma_start3A_31 = arith.constant 0 : i32
        %dma_start3A_32 = arith.constant 0 : i32
        %dma_start3A_33 = tpu.memref_slice %arg5[%run_scoped3A_18, %dma_start3A_31, %dma_start3A_32] : memref<1x5120x128xi32, #tpu.memory_space<hbm>> -> memref<1x5120x128xi32, #tpu.memory_space<hbm>>
        %dma_start3A_34 = tpu.memref_squeeze %dma_start3A_33 : memref<1x5120x128xi32, #tpu.memory_space<hbm>> -> memref<5120x128xi32, #tpu.memory_space<hbm>>
        %dma_start3A_35 = arith.constant 0 : i32
        %dma_start3A_36 = tpu.memref_slice %dma_start3A_34[%mul3A_2, %dma_start3A_35] : memref<5120x128xi32, #tpu.memory_space<hbm>> -> memref<160x128xi32, #tpu.memory_space<hbm>>
        tpu.enqueue_dma source(%dma_start3A_36 : memref<160x128xi32, #tpu.memory_space<hbm>>) target(%arg9 : memref<160x128xi32, #tpu.memory_space<vmem>>) target_semaphore(%run_scoped3A_25 : memref<!tpu.dma_semaphore, #tpu.memory_space<semaphore_mem>>)
        %dma_wait3A = arith.constant 0 : i32
        %dma_wait3A_37 = arith.constant 0 : i32
        %dma_wait3A_38 = tpu.memref_slice %arg5[%run_scoped3A_18, %dma_wait3A, %dma_wait3A_37] : memref<1x5120x128xi32, #tpu.memory_space<hbm>> -> memref<1x5120x128xi32, #tpu.memory_space<hbm>>
        %dma_wait3A_39 = tpu.memref_squeeze %dma_wait3A_38 : memref<1x5120x128xi32, #tpu.memory_space<hbm>> -> memref<5120x128xi32, #tpu.memory_space<hbm>>
        %dma_wait3A_40 = arith.constant 0 : i32
        %dma_wait3A_41 = tpu.memref_slice %dma_wait3A_39[%mul3A_2, %dma_wait3A_40] : memref<5120x128xi32, #tpu.memory_space<hbm>> -> memref<160x128xi32, #tpu.memory_space<hbm>>
        %dma_wait3A_42 = arith.constant 0 : i32
        %dma_wait3A_43 = arith.constant 0 : i32
        %dma_wait3A_44 = tpu.memref_slice %arg5[%run_scoped3A_18, %dma_wait3A_42, %dma_wait3A_43] : memref<1x5120x128xi32, #tpu.memory_space<hbm>> -> memref<1x5120x128xi32, #tpu.memory_space<hbm>>
        %dma_wait3A_45 = tpu.memref_squeeze %dma_wait3A_44 : memref<1x5120x128xi32, #tpu.memory_space<hbm>> -> memref<5120x128xi32, #tpu.memory_space<hbm>>
        %dma_wait3A_46 = arith.constant 0 : i32
        %dma_wait3A_47 = tpu.memref_slice %dma_wait3A_45[%mul3A_2, %dma_wait3A_46] : memref<5120x128xi32, #tpu.memory_space<hbm>> -> memref<160x128xi32, #tpu.memory_space<hbm>>
        tpu.wait_dma2 semaphore(%run_scoped3A_25 : memref<!tpu.dma_semaphore, #tpu.memory_space<semaphore_mem>>) src(%dma_wait3A_47 : memref<160x128xi32, #tpu.memory_space<hbm>>) dst(%arg9 : memref<160x128xi32, #tpu.memory_space<vmem>>)
        tpu.yield
      }) : () -> ()
      %scan3A = arith.constant 0 : i32
      %scan3A_19 = arith.constant 0 : i32
      %scan3A_20 = arith.constant 0 : i32
      %scan3A_21 = arith.constant 160 : i32
      %scan3A_22 = arith.addi %scan3A_20, %scan3A_21 : i32
      %scan3A_23 = arith.constant 1 : i32
      scf.for %scan3A_25 = %scan3A_20 to %scan3A_22 step %scan3A_23  : i32 {
        %dma_start3A = arith.constant 0 : i32
        %dma_start3A_26 = tpu.memref_slice %arg8[%scan3A_25, %dma_start3A] : memref<160x128xi32, #tpu.memory_space<vmem>> -> memref<1x128xi32, #tpu.memory_space<vmem>>
        %dma_start3A_27 = tpu.memref_squeeze %dma_start3A_26 : memref<1x128xi32, #tpu.memory_space<vmem>> -> memref<128xi32, #tpu.memory_space<vmem>>
        %dma_start3A_28 = arith.constant 0 : i32
        %dma_start3A_29 = arith.constant 0 : i32
        %dma_start3A_30 = tpu.memref_slice %arg2[%scan3A_19, %dma_start3A_28, %dma_start3A_29] : memref<1x20008x16xf32, #tpu.memory_space<hbm>> -> memref<1x20008x16xf32, #tpu.memory_space<hbm>>
        %dma_start3A_31 = tpu.memref_squeeze %dma_start3A_30 : memref<1x20008x16xf32, #tpu.memory_space<hbm>> -> memref<20008x16xf32, #tpu.memory_space<hbm>>
        %dma_start3A_32 = arith.constant 0 : i32
        %dma_start3A_33 = arith.constant 0 : i32
        %dma_start3A_34 = tpu.memref_slice %dma_start3A_31[%dma_start3A_32, %dma_start3A_33] : memref<20008x16xf32, #tpu.memory_space<hbm>> -> memref<20008x16xf32, #tpu.memory_space<hbm>>
        tpu.enqueue_indirect_dma source(%dma_start3A_34 : memref<20008x16xf32, #tpu.memory_space<hbm>>) target(%arg10 : memref<128x16xf32, #tpu.memory_space<vmem>>) offsets(%dma_start3A_27 : memref<128xi32, #tpu.memory_space<vmem>>) semaphore(%arg12 : memref<!tpu.dma_semaphore, #tpu.memory_space<semaphore_mem>>)
        %dma_wait3A = arith.constant 0 : i32
        %dma_wait3A_35 = tpu.memref_slice %arg8[%scan3A_25, %dma_wait3A] : memref<160x128xi32, #tpu.memory_space<vmem>> -> memref<1x128xi32, #tpu.memory_space<vmem>>
        %dma_wait3A_36 = tpu.memref_squeeze %dma_wait3A_35 : memref<1x128xi32, #tpu.memory_space<vmem>> -> memref<128xi32, #tpu.memory_space<vmem>>
        %dma_wait3A_37 = arith.constant 0 : i32
        %dma_wait3A_38 = arith.constant 0 : i32
        %dma_wait3A_39 = tpu.memref_slice %arg2[%scan3A_19, %dma_wait3A_37, %dma_wait3A_38] : memref<1x20008x16xf32, #tpu.memory_space<hbm>> -> memref<1x20008x16xf32, #tpu.memory_space<hbm>>
        %dma_wait3A_40 = tpu.memref_squeeze %dma_wait3A_39 : memref<1x20008x16xf32, #tpu.memory_space<hbm>> -> memref<20008x16xf32, #tpu.memory_space<hbm>>
        %dma_wait3A_41 = arith.constant 0 : i32
        %dma_wait3A_42 = arith.constant 0 : i32
        %dma_wait3A_43 = tpu.memref_slice %dma_wait3A_40[%dma_wait3A_41, %dma_wait3A_42] : memref<20008x16xf32, #tpu.memory_space<hbm>> -> memref<20008x16xf32, #tpu.memory_space<hbm>>
        tpu.wait_indirect_dma semaphore(%arg12 : memref<!tpu.dma_semaphore, #tpu.memory_space<semaphore_mem>>) src(%dma_wait3A_43 : memref<20008x16xf32, #tpu.memory_space<hbm>>) dst(%arg10 : memref<128x16xf32, #tpu.memory_space<vmem>>)
        "tpu.region"() ({
          %run_scoped3A_44 = tpu.sem_alloc : memref<!tpu.dma_semaphore, #tpu.memory_space<semaphore_mem>>
          %dma_start3A_45 = arith.constant 0 : i32
          %dma_start3A_46 = tpu.memref_slice %arg9[%scan3A_25, %dma_start3A_45] : memref<160x128xi32, #tpu.memory_space<vmem>> -> memref<1x128xi32, #tpu.memory_space<vmem>>
          %dma_start3A_47 = tpu.memref_squeeze %dma_start3A_46 : memref<1x128xi32, #tpu.memory_space<vmem>> -> memref<128xi32, #tpu.memory_space<vmem>>
          %dma_start3A_48 = arith.constant 0 : i32
          %dma_start3A_49 = arith.constant 0 : i32
          %dma_start3A_50 = tpu.memref_slice %arg11[%dma_start3A_48, %dma_start3A_49] : memref<20480x16xf32, #tpu.memory_space<vmem_shared>> -> memref<20480x16xf32, #tpu.memory_space<vmem_shared>>
          tpu.enqueue_indirect_dma source(%arg10 : memref<128x16xf32, #tpu.memory_space<vmem>>) target(%dma_start3A_50 : memref<20480x16xf32, #tpu.memory_space<vmem_shared>>) offsets(%dma_start3A_47 : memref<128xi32, #tpu.memory_space<vmem>>) semaphore(%run_scoped3A_44 : memref<!tpu.dma_semaphore, #tpu.memory_space<semaphore_mem>>) {add = true}
          %dma_wait3A_51 = arith.constant 0 : i32
          %dma_wait3A_52 = tpu.memref_slice %arg9[%scan3A_25, %dma_wait3A_51] : memref<160x128xi32, #tpu.memory_space<vmem>> -> memref<1x128xi32, #tpu.memory_space<vmem>>
          %dma_wait3A_53 = tpu.memref_squeeze %dma_wait3A_52 : memref<1x128xi32, #tpu.memory_space<vmem>> -> memref<128xi32, #tpu.memory_space<vmem>>
          %dma_wait3A_54 = arith.constant 0 : i32
          %dma_wait3A_55 = arith.constant 0 : i32
          %dma_wait3A_56 = tpu.memref_slice %arg11[%dma_wait3A_54, %dma_wait3A_55] : memref<20480x16xf32, #tpu.memory_space<vmem_shared>> -> memref<20480x16xf32, #tpu.memory_space<vmem_shared>>
          tpu.wait_indirect_dma semaphore(%run_scoped3A_44 : memref<!tpu.dma_semaphore, #tpu.memory_space<semaphore_mem>>) src(%arg10 : memref<128x16xf32, #tpu.memory_space<vmem>>) dst(%dma_wait3A_56 : memref<20480x16xf32, #tpu.memory_space<vmem_shared>>)
          tpu.yield
        }) : () -> ()
      }
      %scan3A_24 = arith.constant 160 : i32
    } else {
    }
    %eq3A_7 = arith.constant 1 : i32
    %eq3A_8 = arith.cmpi eq, %arg0, %eq3A_7 : i32
    %convert_element_type3A_9 = arith.extui %eq3A_8 : i1 to i32
    %cond3A_10 = arith.constant 0 : i32
    %cond3A_11 = arith.cmpi ne, %convert_element_type3A_9, %cond3A_10 : i32
    scf.if %cond3A_11 {
      %run_scoped3A_18 = arith.constant 0 : i32
      "tpu.region"() ({
        %run_scoped3A_25 = tpu.sem_alloc : memref<!tpu.dma_semaphore, #tpu.memory_space<semaphore_mem>>
        %dma_start3A = arith.constant 0 : i32
        %dma_start3A_26 = arith.constant 0 : i32
        %dma_start3A_27 = tpu.memref_slice %arg5[%run_scoped3A_18, %dma_start3A, %dma_start3A_26] : memref<1x5120x128xi32, #tpu.memory_space<hbm>> -> memref<1x5120x128xi32, #tpu.memory_space<hbm>>
        %dma_start3A_28 = tpu.memref_squeeze %dma_start3A_27 : memref<1x5120x128xi32, #tpu.memory_space<hbm>> -> memref<5120x128xi32, #tpu.memory_space<hbm>>
        %dma_start3A_29 = arith.constant 0 : i32
        %dma_start3A_30 = tpu.memref_slice %dma_start3A_28[%mul3A_2, %dma_start3A_29] : memref<5120x128xi32, #tpu.memory_space<hbm>> -> memref<160x128xi32, #tpu.memory_space<hbm>>
        %dma_start3A_31 = arith.constant 0 : i32
        %dma_start3A_32 = arith.constant 0 : i32
        %dma_start3A_33 = tpu.memref_slice %arg5[%run_scoped3A_18, %dma_start3A_31, %dma_start3A_32] : memref<1x5120x128xi32, #tpu.memory_space<hbm>> -> memref<1x5120x128xi32, #tpu.memory_space<hbm>>
        %dma_start3A_34 = tpu.memref_squeeze %dma_start3A_33 : memref<1x5120x128xi32, #tpu.memory_space<hbm>> -> memref<5120x128xi32, #tpu.memory_space<hbm>>
        %dma_start3A_35 = arith.constant 0 : i32
        %dma_start3A_36 = tpu.memref_slice %dma_start3A_34[%mul3A_2, %dma_start3A_35] : memref<5120x128xi32, #tpu.memory_space<hbm>> -> memref<160x128xi32, #tpu.memory_space<hbm>>
        tpu.enqueue_dma source(%dma_start3A_36 : memref<160x128xi32, #tpu.memory_space<hbm>>) target(%arg9 : memref<160x128xi32, #tpu.memory_space<vmem>>) target_semaphore(%run_scoped3A_25 : memref<!tpu.dma_semaphore, #tpu.memory_space<semaphore_mem>>)
        %dma_wait3A = arith.constant 0 : i32
        %dma_wait3A_37 = arith.constant 0 : i32
        %dma_wait3A_38 = tpu.memref_slice %arg5[%run_scoped3A_18, %dma_wait3A, %dma_wait3A_37] : memref<1x5120x128xi32, #tpu.memory_space<hbm>> -> memref<1x5120x128xi32, #tpu.memory_space<hbm>>
        %dma_wait3A_39 = tpu.memref_squeeze %dma_wait3A_38 : memref<1x5120x128xi32, #tpu.memory_space<hbm>> -> memref<5120x128xi32, #tpu.memory_space<hbm>>
        %dma_wait3A_40 = arith.constant 0 : i32
        %dma_wait3A_41 = tpu.memref_slice %dma_wait3A_39[%mul3A_2, %dma_wait3A_40] : memref<5120x128xi32, #tpu.memory_space<hbm>> -> memref<160x128xi32, #tpu.memory_space<hbm>>
        %dma_wait3A_42 = arith.constant 0 : i32
        %dma_wait3A_43 = arith.constant 0 : i32
        %dma_wait3A_44 = tpu.memref_slice %arg5[%run_scoped3A_18, %dma_wait3A_42, %dma_wait3A_43] : memref<1x5120x128xi32, #tpu.memory_space<hbm>> -> memref<1x5120x128xi32, #tpu.memory_space<hbm>>
        %dma_wait3A_45 = tpu.memref_squeeze %dma_wait3A_44 : memref<1x5120x128xi32, #tpu.memory_space<hbm>> -> memref<5120x128xi32, #tpu.memory_space<hbm>>
        %dma_wait3A_46 = arith.constant 0 : i32
        %dma_wait3A_47 = tpu.memref_slice %dma_wait3A_45[%mul3A_2, %dma_wait3A_46] : memref<5120x128xi32, #tpu.memory_space<hbm>> -> memref<160x128xi32, #tpu.memory_space<hbm>>
        tpu.wait_dma2 semaphore(%run_scoped3A_25 : memref<!tpu.dma_semaphore, #tpu.memory_space<semaphore_mem>>) src(%dma_wait3A_47 : memref<160x128xi32, #tpu.memory_space<hbm>>) dst(%arg9 : memref<160x128xi32, #tpu.memory_space<vmem>>)
        tpu.yield
      }) : () -> ()
      %scan3A = arith.constant 0 : i32
      %scan3A_19 = arith.constant 0 : i32
      %scan3A_20 = arith.constant 0 : i32
      %scan3A_21 = arith.constant 160 : i32
      %scan3A_22 = arith.addi %scan3A_20, %scan3A_21 : i32
      %scan3A_23 = arith.constant 1 : i32
      scf.for %scan3A_25 = %scan3A_20 to %scan3A_22 step %scan3A_23  : i32 {
        %dma_start3A = arith.constant 0 : i32
        %dma_start3A_26 = tpu.memref_slice %arg8[%scan3A_25, %dma_start3A] : memref<160x128xi32, #tpu.memory_space<vmem>> -> memref<1x128xi32, #tpu.memory_space<vmem>>
        %dma_start3A_27 = tpu.memref_squeeze %dma_start3A_26 : memref<1x128xi32, #tpu.memory_space<vmem>> -> memref<128xi32, #tpu.memory_space<vmem>>
        %dma_start3A_28 = arith.constant 0 : i32
        %dma_start3A_29 = arith.constant 0 : i32
        %dma_start3A_30 = tpu.memref_slice %arg3[%scan3A_19, %dma_start3A_28, %dma_start3A_29] : memref<1x20008x16xf32, #tpu.memory_space<hbm>> -> memref<1x20008x16xf32, #tpu.memory_space<hbm>>
        %dma_start3A_31 = tpu.memref_squeeze %dma_start3A_30 : memref<1x20008x16xf32, #tpu.memory_space<hbm>> -> memref<20008x16xf32, #tpu.memory_space<hbm>>
        %dma_start3A_32 = arith.constant 0 : i32
        %dma_start3A_33 = arith.constant 0 : i32
        %dma_start3A_34 = tpu.memref_slice %dma_start3A_31[%dma_start3A_32, %dma_start3A_33] : memref<20008x16xf32, #tpu.memory_space<hbm>> -> memref<20008x16xf32, #tpu.memory_space<hbm>>
        tpu.enqueue_indirect_dma source(%dma_start3A_34 : memref<20008x16xf32, #tpu.memory_space<hbm>>) target(%arg10 : memref<128x16xf32, #tpu.memory_space<vmem>>) offsets(%dma_start3A_27 : memref<128xi32, #tpu.memory_space<vmem>>) semaphore(%arg12 : memref<!tpu.dma_semaphore, #tpu.memory_space<semaphore_mem>>)
        %dma_wait3A = arith.constant 0 : i32
        %dma_wait3A_35 = tpu.memref_slice %arg8[%scan3A_25, %dma_wait3A] : memref<160x128xi32, #tpu.memory_space<vmem>> -> memref<1x128xi32, #tpu.memory_space<vmem>>
        %dma_wait3A_36 = tpu.memref_squeeze %dma_wait3A_35 : memref<1x128xi32, #tpu.memory_space<vmem>> -> memref<128xi32, #tpu.memory_space<vmem>>
        %dma_wait3A_37 = arith.constant 0 : i32
        %dma_wait3A_38 = arith.constant 0 : i32
        %dma_wait3A_39 = tpu.memref_slice %arg3[%scan3A_19, %dma_wait3A_37, %dma_wait3A_38] : memref<1x20008x16xf32, #tpu.memory_space<hbm>> -> memref<1x20008x16xf32, #tpu.memory_space<hbm>>
        %dma_wait3A_40 = tpu.memref_squeeze %dma_wait3A_39 : memref<1x20008x16xf32, #tpu.memory_space<hbm>> -> memref<20008x16xf32, #tpu.memory_space<hbm>>
        %dma_wait3A_41 = arith.constant 0 : i32
        %dma_wait3A_42 = arith.constant 0 : i32
        %dma_wait3A_43 = tpu.memref_slice %dma_wait3A_40[%dma_wait3A_41, %dma_wait3A_42] : memref<20008x16xf32, #tpu.memory_space<hbm>> -> memref<20008x16xf32, #tpu.memory_space<hbm>>
        tpu.wait_indirect_dma semaphore(%arg12 : memref<!tpu.dma_semaphore, #tpu.memory_space<semaphore_mem>>) src(%dma_wait3A_43 : memref<20008x16xf32, #tpu.memory_space<hbm>>) dst(%arg10 : memref<128x16xf32, #tpu.memory_space<vmem>>)
        "tpu.region"() ({
          %run_scoped3A_44 = tpu.sem_alloc : memref<!tpu.dma_semaphore, #tpu.memory_space<semaphore_mem>>
          %dma_start3A_45 = arith.constant 0 : i32
          %dma_start3A_46 = tpu.memref_slice %arg9[%scan3A_25, %dma_start3A_45] : memref<160x128xi32, #tpu.memory_space<vmem>> -> memref<1x128xi32, #tpu.memory_space<vmem>>
          %dma_start3A_47 = tpu.memref_squeeze %dma_start3A_46 : memref<1x128xi32, #tpu.memory_space<vmem>> -> memref<128xi32, #tpu.memory_space<vmem>>
          %dma_start3A_48 = arith.constant 0 : i32
          %dma_start3A_49 = arith.constant 0 : i32
          %dma_start3A_50 = tpu.memref_slice %arg11[%dma_start3A_48, %dma_start3A_49] : memref<20480x16xf32, #tpu.memory_space<vmem_shared>> -> memref<20480x16xf32, #tpu.memory_space<vmem_shared>>
          tpu.enqueue_indirect_dma source(%arg10 : memref<128x16xf32, #tpu.memory_space<vmem>>) target(%dma_start3A_50 : memref<20480x16xf32, #tpu.memory_space<vmem_shared>>) offsets(%dma_start3A_47 : memref<128xi32, #tpu.memory_space<vmem>>) semaphore(%run_scoped3A_44 : memref<!tpu.dma_semaphore, #tpu.memory_space<semaphore_mem>>) {add = true}
          %dma_wait3A_51 = arith.constant 0 : i32
          %dma_wait3A_52 = tpu.memref_slice %arg9[%scan3A_25, %dma_wait3A_51] : memref<160x128xi32, #tpu.memory_space<vmem>> -> memref<1x128xi32, #tpu.memory_space<vmem>>
          %dma_wait3A_53 = tpu.memref_squeeze %dma_wait3A_52 : memref<1x128xi32, #tpu.memory_space<vmem>> -> memref<128xi32, #tpu.memory_space<vmem>>
          %dma_wait3A_54 = arith.constant 0 : i32
          %dma_wait3A_55 = arith.constant 0 : i32
          %dma_wait3A_56 = tpu.memref_slice %arg11[%dma_wait3A_54, %dma_wait3A_55] : memref<20480x16xf32, #tpu.memory_space<vmem_shared>> -> memref<20480x16xf32, #tpu.memory_space<vmem_shared>>
          tpu.wait_indirect_dma semaphore(%run_scoped3A_44 : memref<!tpu.dma_semaphore, #tpu.memory_space<semaphore_mem>>) src(%arg10 : memref<128x16xf32, #tpu.memory_space<vmem>>) dst(%dma_wait3A_56 : memref<20480x16xf32, #tpu.memory_space<vmem_shared>>)
          tpu.yield
        }) : () -> ()
      }
      %scan3A_24 = arith.constant 160 : i32
    } else {
    }
    %barrier3A_12 = arith.constant 0 : index
    tpu.barrier barrier_id(%barrier3A_12)
    %mul3A_13 = arith.constant 1280 : i32
    %mul3A_14 = arith.muli %arg1, %mul3A_13 : i32
    %mul3A_15 = arith.constant 1280 : i32
    %mul3A_16 = arith.muli %arg1, %mul3A_15 : i32
    %run_scoped3A = arith.constant 0 : i32
    "tpu.region"() ({
      %run_scoped3A_18 = tpu.sem_alloc : memref<!tpu.dma_semaphore, #tpu.memory_space<semaphore_mem>>
      %dma_start3A = arith.constant 0 : i32
      %dma_start3A_19 = tpu.memref_slice %arg7[%arg0, %run_scoped3A, %mul3A_16, %dma_start3A] : memref<2x1x20480x16xf32, #tpu.memory_space<hbm>> -> memref<1x1x1280x16xf32, #tpu.memory_space<hbm>>
      %dma_start3A_20 = tpu.memref_squeeze %dma_start3A_19 : memref<1x1x1280x16xf32, #tpu.memory_space<hbm>> -> memref<1280x16xf32, #tpu.memory_space<hbm>>
      %dma_start3A_21 = arith.constant 0 : i32
      %dma_start3A_22 = tpu.memref_slice %arg11[%mul3A_14, %dma_start3A_21] : memref<20480x16xf32, #tpu.memory_space<vmem_shared>> -> memref<1280x16xf32, #tpu.memory_space<vmem_shared>>
      tpu.enqueue_dma source(%dma_start3A_22 : memref<1280x16xf32, #tpu.memory_space<vmem_shared>>) target(%dma_start3A_20 : memref<1280x16xf32, #tpu.memory_space<hbm>>) target_semaphore(%run_scoped3A_18 : memref<!tpu.dma_semaphore, #tpu.memory_space<semaphore_mem>>)
      %dma_wait3A = arith.constant 0 : i32
      %dma_wait3A_23 = tpu.memref_slice %arg7[%arg0, %run_scoped3A, %mul3A_16, %dma_wait3A] : memref<2x1x20480x16xf32, #tpu.memory_space<hbm>> -> memref<1x1x1280x16xf32, #tpu.memory_space<hbm>>
      %dma_wait3A_24 = tpu.memref_squeeze %dma_wait3A_23 : memref<1x1x1280x16xf32, #tpu.memory_space<hbm>> -> memref<1280x16xf32, #tpu.memory_space<hbm>>
      %dma_wait3A_25 = arith.constant 0 : i32
      %dma_wait3A_26 = tpu.memref_slice %arg11[%mul3A_14, %dma_wait3A_25] : memref<20480x16xf32, #tpu.memory_space<vmem_shared>> -> memref<1280x16xf32, #tpu.memory_space<vmem_shared>>
      tpu.wait_dma2 semaphore(%run_scoped3A_18 : memref<!tpu.dma_semaphore, #tpu.memory_space<semaphore_mem>>) src(%dma_wait3A_26 : memref<1280x16xf32, #tpu.memory_space<vmem_shared>>) dst(%dma_wait3A_24 : memref<1280x16xf32, #tpu.memory_space<hbm>>)
      tpu.yield
    }) : () -> ()
    %barrier3A_17 = arith.constant 0 : index
    tpu.barrier barrier_id(%barrier3A_17)
    return
  }
}

module attributes {stable_mosaic.version = 14 : i64} {
  func.func @_lkk_body(%arg0: i32, %arg1: memref<1000x128xf32, #tpu.memory_space<vmem>>, %arg2: memref<1000x128xf32, #tpu.memory_space<vmem>>, %arg3: memref<1000x128xf32, #tpu.memory_space<vmem>>, %arg4: memref<1000x128xf32, #tpu.memory_space<vmem>>, %arg5: memref<128x128xf32, #tpu.memory_space<vmem>>, %arg6: memref<8x128xf32, #tpu.memory_space<vmem>>, %arg7: memref<1000x128xf32, #tpu.memory_space<vmem>>, %arg8: memref<1000x128xf32, #tpu.memory_space<vmem>>) attributes {dimension_semantics = [#tpu.dimension_semantics<arbitrary>], iteration_bounds = array<i64: 20>, scalar_prefetch = 0 : i64, scratch_operands = 0 : i64, tpu.core_type = #tpu.core_type<tc>, window_params = [{transform_indices = @transform_0, window_bounds = array<i64: 1000, 128>}, {transform_indices = @transform_1, window_bounds = array<i64: 1000, 128>}, {transform_indices = @transform_2, window_bounds = array<i64: 1000, 128>}, {transform_indices = @transform_3, window_bounds = array<i64: 1000, 128>}, {pipeline_mode = #tpu.pipeline_mode<synchronous>, transform_indices = @transform_4, window_bounds = array<i64: 128, 128>}, {pipeline_mode = #tpu.pipeline_mode<synchronous>, transform_indices = @transform_5, window_bounds = array<i64: 8, 128>}, {transform_indices = @transform_6, window_bounds = array<i64: 1000, 128>}, {transform_indices = @transform_7, window_bounds = array<i64: 1000, 128>}]} {
    %get3A = arith.constant 0 : index
    %get3A_0 = arith.constant 0 : index
    %get3A_1 = vector.load %arg5[%get3A, %get3A_0] : memref<128x128xf32, #tpu.memory_space<vmem>>, vector<128x128xf32>
    %get3A_2 = arith.constant 0 : index
    %get3A_3 = arith.constant 0 : index
    %get3A_4 = vector.load %arg6[%get3A_2, %get3A_3] : memref<8x128xf32, #tpu.memory_space<vmem>>, vector<1x128xf32>
    %get3A_5 = arith.constant 0 : index
    %get3A_6 = arith.constant 0 : index
    %get3A_7 = vector.load %arg4[%get3A_5, %get3A_6] : memref<1000x128xf32, #tpu.memory_space<vmem>>, vector<1000x128xf32>
    %get3A_8 = arith.constant 0 : index
    %get3A_9 = arith.constant 0 : index
    %get3A_10 = vector.load %arg3[%get3A_8, %get3A_9] : memref<1000x128xf32, #tpu.memory_space<vmem>>, vector<1000x128xf32>
    %mul3A = arith.mulf %get3A_7, %get3A_10 : vector<1000x128xf32>
    %mul3A_11 = arith.mulf %get3A_7, %get3A_7 : vector<1000x128xf32>
    %get3A_12 = arith.constant 0 : index
    %get3A_13 = arith.constant 0 : index
    %get3A_14 = vector.load %arg2[%get3A_12, %get3A_13] : memref<1000x128xf32, #tpu.memory_space<vmem>>, vector<1000x128xf32>
    %mul3A_15 = arith.mulf %mul3A_11, %get3A_14 : vector<1000x128xf32>
    %add3A = arith.addf %mul3A, %mul3A_15 : vector<1000x128xf32>
    %get3A_16 = arith.constant 0 : index
    %get3A_17 = arith.constant 0 : index
    %get3A_18 = vector.load %arg1[%get3A_16, %get3A_17] : memref<1000x128xf32, #tpu.memory_space<vmem>>, vector<1000x128xf32>
    %dot_general3A = arith.constant dense<0.000000e+00> : vector<1000x128xf32>
    %dot_general3A_19 = tpu.matmul %get3A_18, %get3A_1, %dot_general3A {dimension_numbers = #tpu.dot_dimension_numbers<[1], [1], [0], [0], [0, 0, 1, 0], [], []>, transpose_lhs_hint = false} : vector<1000x128xf32>, vector<128x128xf32>, vector<1000x128xf32> -> vector<1000x128xf32>
    %dot_general3A_20 = arith.constant dense<0.000000e+00> : vector<1000x128xf32>
    %dot_general3A_21 = tpu.matmul %add3A, %get3A_1, %dot_general3A_20 {dimension_numbers = #tpu.dot_dimension_numbers<[1], [1], [0], [0], [0, 0, 1, 0], [], []>, transpose_lhs_hint = false} : vector<1000x128xf32>, vector<128x128xf32>, vector<1000x128xf32> -> vector<1000x128xf32>
    %add3A_22 = vector.broadcast %get3A_4 : vector<1x128xf32> to vector<1000x128xf32>
    %add3A_23 = arith.addf %dot_general3A_19, %add3A_22 : vector<1000x128xf32>
    %max3A = arith.constant 0.000000e+00 : f32
    %max3A_24 = vector.broadcast %max3A : f32 to vector<1000x128xf32>
    %max3A_25 = arith.maximumf %add3A_23, %max3A_24 : vector<1000x128xf32>
    %swap3A = arith.constant 0 : index
    %swap3A_26 = arith.constant 0 : index
    %swap3A_27 = vector.load %arg7[%swap3A, %swap3A_26] : memref<1000x128xf32, #tpu.memory_space<vmem>>, vector<1000x128xf32>
    tpu.vector_store %arg7[%swap3A, %swap3A_26], %max3A_25 {strides = array<i32>} : memref<1000x128xf32, #tpu.memory_space<vmem>>, vector<1000x128xf32>,
    %add3A_28 = vector.broadcast %get3A_4 : vector<1x128xf32> to vector<1000x128xf32>
    %add3A_29 = arith.addf %dot_general3A_21, %add3A_28 : vector<1000x128xf32>
    %max3A_30 = arith.constant 0.000000e+00 : f32
    %max3A_31 = vector.broadcast %max3A_30 : f32 to vector<1000x128xf32>
    %max3A_32 = arith.maximumf %add3A_29, %max3A_31 : vector<1000x128xf32>
    %swap3A_33 = arith.constant 0 : index
    %swap3A_34 = arith.constant 0 : index
    %swap3A_35 = vector.load %arg8[%swap3A_33, %swap3A_34] : memref<1000x128xf32, #tpu.memory_space<vmem>>, vector<1000x128xf32>
    tpu.vector_store %arg8[%swap3A_33, %swap3A_34], %max3A_32 {strides = array<i32>} : memref<1000x128xf32, #tpu.memory_space<vmem>>, vector<1000x128xf32>,
    return
  }
  func.func @transform_0(%arg0: i32) -> (i32, i32) {
    %c0_i32 = arith.constant 0 : i32
    %c0_i32_0 = arith.constant 0 : i32
    return %arg0, %c0_i32 : i32, i32
  }
  func.func @transform_1(%arg0: i32) -> (i32, i32) {
    %c0_i32 = arith.constant 0 : i32
    %c0_i32_0 = arith.constant 0 : i32
    return %arg0, %c0_i32 : i32, i32
  }
  func.func @transform_2(%arg0: i32) -> (i32, i32) {
    %c0_i32 = arith.constant 0 : i32
    %c0_i32_0 = arith.constant 0 : i32
    return %arg0, %c0_i32 : i32, i32
  }
  func.func @transform_3(%arg0: i32) -> (i32, i32) {
    %c0_i32 = arith.constant 0 : i32
    %c0_i32_0 = arith.constant 0 : i32
    return %arg0, %c0_i32 : i32, i32
  }
  func.func @transform_4(%arg0: i32) -> (i32, i32) {
    %c0_i32 = arith.constant 0 : i32
    %c0_i32_0 = arith.constant 0 : i32
    %c0_i32_1 = arith.constant 0 : i32
    return %c0_i32, %c0_i32_0 : i32, i32
  }
  func.func @transform_5(%arg0: i32) -> (i32, i32) {
    %c0_i32 = arith.constant 0 : i32
    %c0_i32_0 = arith.constant 0 : i32
    %c0_i32_1 = arith.constant 0 : i32
    return %c0_i32, %c0_i32_0 : i32, i32
  }
  func.func @transform_6(%arg0: i32) -> (i32, i32) {
    %c0_i32 = arith.constant 0 : i32
    %c0_i32_0 = arith.constant 0 : i32
    return %arg0, %c0_i32 : i32, i32
  }
  func.func @transform_7(%arg0: i32) -> (i32, i32) {
    %c0_i32 = arith.constant 0 : i32
    %c0_i32_0 = arith.constant 0 : i32
    return %arg0, %c0_i32 : i32, i32
  }
}

module attributes {stable_mosaic.version = 14 : i64} {
  func.func @_pool_body(%arg0: i32, %arg1: memref<1000x128xf32, #tpu.memory_space<vmem>>, %arg2: memref<1000x128xf32, #tpu.memory_space<vmem>>, %arg3: memref<8x128xf32, #tpu.memory_space<vmem>>) attributes {dimension_semantics = [#tpu.dimension_semantics<arbitrary>], iteration_bounds = array<i64: 20>, scalar_prefetch = 0 : i64, scratch_operands = 0 : i64, tpu.core_type = #tpu.core_type<tc>, window_params = [{transform_indices = @transform_0, window_bounds = array<i64: 1000, 128>}, {transform_indices = @transform_1, window_bounds = array<i64: 1000, 128>}, {pipeline_mode = #tpu.pipeline_mode<synchronous>, transform_indices = @transform_2, window_bounds = array<i64: 8, 128>}]} {
    %eq3A = arith.constant 0 : i32
    %eq3A_0 = arith.cmpi eq, %arg0, %eq3A : i32
    %convert_element_type3A = arith.extui %eq3A_0 : i1 to i32
    %cond3A = arith.constant 0 : i32
    %cond3A_1 = arith.cmpi ne, %convert_element_type3A, %cond3A : i32
    scf.if %cond3A_1 {
      %broadcast_in_dim3A_38 = arith.constant 0.000000e+00 : f32
      %broadcast_in_dim3A_39 = vector.broadcast %broadcast_in_dim3A_38 : f32 to vector<8x128xf32>
      %swap3A_40 = arith.constant 0 : index
      %swap3A_41 = arith.constant 0 : index
      %swap3A_42 = vector.load %arg3[%swap3A_40, %swap3A_41] : memref<8x128xf32, #tpu.memory_space<vmem>>, vector<8x128xf32>
      tpu.vector_store %arg3[%swap3A_40, %swap3A_41], %broadcast_in_dim3A_39 {strides = array<i32>} : memref<8x128xf32, #tpu.memory_space<vmem>>, vector<8x128xf32>,
    } else {
    }
    %get3A = arith.constant 0 : index
    %get3A_2 = arith.constant 0 : index
    %get3A_3 = vector.load %arg1[%get3A, %get3A_2] : memref<1000x128xf32, #tpu.memory_space<vmem>>, vector<1000x128xf32>
    %reduce_sum3A = arith.constant dense<0.000000e+00> : vector<128xf32>
    %reduce_sum3A_4 = vector.multi_reduction <add>, %get3A_3, %reduce_sum3A [0] : vector<1000x128xf32> to vector<128xf32>
    %broadcast_in_dim3A = vector.shape_cast %reduce_sum3A_4 : vector<128xf32> to vector<1x128xf32>
    %get3A_5 = arith.constant 0 : index
    %get3A_6 = arith.constant 0 : index
    %get3A_7 = vector.load %arg2[%get3A_5, %get3A_6] : memref<1000x128xf32, #tpu.memory_space<vmem>>, vector<1000x128xf32>
    %reduce_sum3A_8 = arith.constant dense<0.000000e+00> : vector<128xf32>
    %reduce_sum3A_9 = vector.multi_reduction <add>, %get3A_7, %reduce_sum3A_8 [0] : vector<1000x128xf32> to vector<128xf32>
    %broadcast_in_dim3A_10 = vector.shape_cast %reduce_sum3A_9 : vector<128xf32> to vector<1x128xf32>
    %iota3A = tpu.iota {dimensions = array<i32: 0>} : vector<8x128xi32>
    %lt3A = arith.constant 10 : i32
    %lt3A_11 = arith.cmpi slt, %arg0, %lt3A : i32
    %jit3A = arith.constant 0 : i32
    %jit3A_12 = arith.constant 1 : i32
    %select_n3A = arith.select %lt3A_11, %jit3A, %jit3A_12 : i32
    %lt3A_13 = arith.constant 10 : i32
    %lt3A_14 = arith.cmpi slt, %arg0, %lt3A_13 : i32
    %jit3A_15 = arith.constant 2 : i32
    %jit3A_16 = arith.constant 3 : i32
    %select_n3A_17 = arith.select %lt3A_14, %jit3A_15, %jit3A_16 : i32
    %eq3A_18 = vector.broadcast %select_n3A : i32 to vector<8x128xi32>
    %eq3A_19 = arith.cmpi eq, %iota3A, %eq3A_18 : vector<8x128xi32>
    %jit3A_20 = arith.constant 0.000000e+00 : f32
    %broadcast_in_dim3A_21 = vector.shape_cast %broadcast_in_dim3A : vector<1x128xf32> to vector<1x128xf32>
    %broadcast_in_dim3A_22 = vector.broadcast %broadcast_in_dim3A_21 : vector<1x128xf32> to vector<8x128xf32>
    %broadcast_in_dim3A_23 = vector.broadcast %jit3A_20 : f32 to vector<8x128xf32>
    %select_n3A_24 = arith.select %eq3A_19, %broadcast_in_dim3A_22, %broadcast_in_dim3A_23 : vector<8x128xi1>, vector<8x128xf32>
    %eq3A_25 = vector.broadcast %select_n3A_17 : i32 to vector<8x128xi32>
    %eq3A_26 = arith.cmpi eq, %iota3A, %eq3A_25 : vector<8x128xi32>
    %jit3A_27 = arith.constant 0.000000e+00 : f32
    %broadcast_in_dim3A_28 = vector.shape_cast %broadcast_in_dim3A_10 : vector<1x128xf32> to vector<1x128xf32>
    %broadcast_in_dim3A_29 = vector.broadcast %broadcast_in_dim3A_28 : vector<1x128xf32> to vector<8x128xf32>
    %broadcast_in_dim3A_30 = vector.broadcast %jit3A_27 : f32 to vector<8x128xf32>
    %select_n3A_31 = arith.select %eq3A_26, %broadcast_in_dim3A_29, %broadcast_in_dim3A_30 : vector<8x128xi1>, vector<8x128xf32>
    %add3A = arith.addf %select_n3A_24, %select_n3A_31 : vector<8x128xf32>
    %get3A_32 = arith.constant 0 : index
    %get3A_33 = arith.constant 0 : index
    %get3A_34 = vector.load %arg3[%get3A_32, %get3A_33] : memref<8x128xf32, #tpu.memory_space<vmem>>, vector<8x128xf32>
    %add3A_35 = arith.addf %get3A_34, %add3A : vector<8x128xf32>
    %swap3A = arith.constant 0 : index
    %swap3A_36 = arith.constant 0 : index
    %swap3A_37 = vector.load %arg3[%swap3A, %swap3A_36] : memref<8x128xf32, #tpu.memory_space<vmem>>, vector<8x128xf32>
    tpu.vector_store %arg3[%swap3A, %swap3A_36], %add3A_35 {strides = array<i32>} : memref<8x128xf32, #tpu.memory_space<vmem>>, vector<8x128xf32>,
    return
  }
  func.func @transform_0(%arg0: i32) -> (i32, i32) {
    %c0_i32 = arith.constant 0 : i32
    %c0_i32_0 = arith.constant 0 : i32
    return %arg0, %c0_i32 : i32, i32
  }
  func.func @transform_1(%arg0: i32) -> (i32, i32) {
    %c0_i32 = arith.constant 0 : i32
    %c0_i32_0 = arith.constant 0 : i32
    return %arg0, %c0_i32 : i32, i32
  }
  func.func @transform_2(%arg0: i32) -> (i32, i32) {
    %c0_i32 = arith.constant 0 : i32
    %c0_i32_0 = arith.constant 0 : i32
    %c0_i32_1 = arith.constant 0 : i32
    return %c0_i32, %c0_i32_0 : i32, i32
  }
}

module attributes {stable_mosaic.version = 14 : i64} {
  func.func @_fin_body(%arg0: i32, %arg1: memref<8x128xf32, #tpu.memory_space<vmem>>, %arg2: memref<128x128xf32, #tpu.memory_space<vmem>>, %arg3: memref<8x128xf32, #tpu.memory_space<vmem>>, %arg4: memref<128x128xf32, #tpu.memory_space<vmem>>, %arg5: memref<8x128xf32, #tpu.memory_space<vmem>>, %arg6: memref<1024x128xf32, #tpu.memory_space<vmem>>, %arg7: memref<8x1024xf32, #tpu.memory_space<vmem>>, %arg8: memref<8x1024xf32, #tpu.memory_space<vmem>>) attributes {dimension_semantics = [#tpu.dimension_semantics<arbitrary>], iteration_bounds = array<i64: 10>, scalar_prefetch = 0 : i64, scratch_operands = 0 : i64, tpu.core_type = #tpu.core_type<tc>, window_params = [{pipeline_mode = #tpu.pipeline_mode<synchronous>, transform_indices = @transform_0, window_bounds = array<i64: 8, 128>}, {pipeline_mode = #tpu.pipeline_mode<synchronous>, transform_indices = @transform_1, window_bounds = array<i64: 128, 128>}, {pipeline_mode = #tpu.pipeline_mode<synchronous>, transform_indices = @transform_2, window_bounds = array<i64: 8, 128>}, {pipeline_mode = #tpu.pipeline_mode<synchronous>, transform_indices = @transform_3, window_bounds = array<i64: 128, 128>}, {pipeline_mode = #tpu.pipeline_mode<synchronous>, transform_indices = @transform_4, window_bounds = array<i64: 8, 128>}, {transform_indices = @transform_5, window_bounds = array<i64: 1024, 128>}, {transform_indices = @transform_6, window_bounds = array<i64: 8, 1024>}, {transform_indices = @transform_7, window_bounds = array<i64: 8, 1024>}]} {
    %get3A = arith.constant 0 : index
    %get3A_0 = arith.constant 0 : index
    %get3A_1 = vector.load %arg1[%get3A, %get3A_0] : memref<8x128xf32, #tpu.memory_space<vmem>>, vector<8x128xf32>
    %get3A_2 = arith.constant 0 : index
    %get3A_3 = arith.constant 0 : index
    %get3A_4 = vector.load %arg2[%get3A_2, %get3A_3] : memref<128x128xf32, #tpu.memory_space<vmem>>, vector<128x128xf32>
    %dot_general3A = arith.constant dense<0.000000e+00> : vector<8x128xf32>
    %dot_general3A_5 = tpu.matmul %get3A_1, %get3A_4, %dot_general3A {dimension_numbers = #tpu.dot_dimension_numbers<[1], [1], [0], [0], [0, 0, 1, 0], [], []>, transpose_lhs_hint = false} : vector<8x128xf32>, vector<128x128xf32>, vector<8x128xf32> -> vector<8x128xf32>
    %get3A_6 = arith.constant 0 : index
    %get3A_7 = arith.constant 0 : index
    %get3A_8 = vector.load %arg3[%get3A_6, %get3A_7] : memref<8x128xf32, #tpu.memory_space<vmem>>, vector<1x128xf32>
    %add3A = vector.broadcast %get3A_8 : vector<1x128xf32> to vector<8x128xf32>
    %add3A_9 = arith.addf %dot_general3A_5, %add3A : vector<8x128xf32>
    %max3A = arith.constant 0.000000e+00 : f32
    %max3A_10 = vector.broadcast %max3A : f32 to vector<8x128xf32>
    %max3A_11 = arith.maximumf %add3A_9, %max3A_10 : vector<8x128xf32>
    %get3A_12 = arith.constant 0 : index
    %get3A_13 = arith.constant 0 : index
    %get3A_14 = vector.load %arg4[%get3A_12, %get3A_13] : memref<128x128xf32, #tpu.memory_space<vmem>>, vector<128x128xf32>
    %dot_general3A_15 = arith.constant dense<0.000000e+00> : vector<8x128xf32>
    %dot_general3A_16 = tpu.matmul %max3A_11, %get3A_14, %dot_general3A_15 {dimension_numbers = #tpu.dot_dimension_numbers<[1], [1], [0], [0], [0, 0, 1, 0], [], []>, transpose_lhs_hint = false} : vector<8x128xf32>, vector<128x128xf32>, vector<8x128xf32> -> vector<8x128xf32>
    %get3A_17 = arith.constant 0 : index
    %get3A_18 = arith.constant 0 : index
    %get3A_19 = vector.load %arg5[%get3A_17, %get3A_18] : memref<8x128xf32, #tpu.memory_space<vmem>>, vector<1x128xf32>
    %add3A_20 = vector.broadcast %get3A_19 : vector<1x128xf32> to vector<8x128xf32>
    %add3A_21 = arith.addf %dot_general3A_16, %add3A_20 : vector<8x128xf32>
    %max3A_22 = arith.constant 0.000000e+00 : f32
    %max3A_23 = vector.broadcast %max3A_22 : f32 to vector<8x128xf32>
    %max3A_24 = arith.maximumf %add3A_21, %max3A_23 : vector<8x128xf32>
    %get3A_25 = arith.constant 0 : index
    %get3A_26 = arith.constant 0 : index
    %get3A_27 = vector.load %arg6[%get3A_25, %get3A_26] : memref<1024x128xf32, #tpu.memory_space<vmem>>, vector<1024x128xf32>
    %dot_general3A_28 = arith.constant dense<0.000000e+00> : vector<8x1024xf32>
    %dot_general3A_29 = tpu.matmul %max3A_24, %get3A_27, %dot_general3A_28 {dimension_numbers = #tpu.dot_dimension_numbers<[1], [1], [0], [0], [0, 0, 1, 0], [], []>, transpose_lhs_hint = false} : vector<8x128xf32>, vector<1024x128xf32>, vector<8x1024xf32> -> vector<8x1024xf32>
    %get3A_30 = arith.constant 0 : index
    %get3A_31 = arith.constant 0 : index
    %get3A_32 = vector.load %arg7[%get3A_30, %get3A_31] : memref<8x1024xf32, #tpu.memory_space<vmem>>, vector<8x1024xf32>
    %add3A_33 = arith.addf %dot_general3A_29, %get3A_32 : vector<8x1024xf32>
    %logistic3A = arith.negf %add3A_33 : vector<8x1024xf32>
    %logistic3A_34 = math.exp %logistic3A : vector<8x1024xf32>
    %logistic3A_35 = arith.constant 1.000000e+00 : f32
    %logistic3A_36 = vector.broadcast %logistic3A_35 : f32 to vector<8x1024xf32>
    %logistic3A_37 = arith.addf %logistic3A_36, %logistic3A_34 : vector<8x1024xf32>
    %logistic3A_38 = arith.divf %logistic3A_36, %logistic3A_37 : vector<8x1024xf32>
    %swap3A = arith.constant 0 : index
    %swap3A_39 = arith.constant 0 : index
    %swap3A_40 = vector.load %arg8[%swap3A, %swap3A_39] : memref<8x1024xf32, #tpu.memory_space<vmem>>, vector<8x1024xf32>
    tpu.vector_store %arg8[%swap3A, %swap3A_39], %logistic3A_38 {strides = array<i32>} : memref<8x1024xf32, #tpu.memory_space<vmem>>, vector<8x1024xf32>,
    return
  }
  func.func @transform_0(%arg0: i32) -> (i32, i32) {
    %c0_i32 = arith.constant 0 : i32
    %c0_i32_0 = arith.constant 0 : i32
    %c0_i32_1 = arith.constant 0 : i32
    return %c0_i32, %c0_i32_0 : i32, i32
  }
  func.func @transform_1(%arg0: i32) -> (i32, i32) {
    %c0_i32 = arith.constant 0 : i32
    %c0_i32_0 = arith.constant 0 : i32
    %c0_i32_1 = arith.constant 0 : i32
    return %c0_i32, %c0_i32_0 : i32, i32
  }
  func.func @transform_2(%arg0: i32) -> (i32, i32) {
    %c0_i32 = arith.constant 0 : i32
    %c0_i32_0 = arith.constant 0 : i32
    %c0_i32_1 = arith.constant 0 : i32
    return %c0_i32, %c0_i32_0 : i32, i32
  }
  func.func @transform_3(%arg0: i32) -> (i32, i32) {
    %c0_i32 = arith.constant 0 : i32
    %c0_i32_0 = arith.constant 0 : i32
    %c0_i32_1 = arith.constant 0 : i32
    return %c0_i32, %c0_i32_0 : i32, i32
  }
  func.func @transform_4(%arg0: i32) -> (i32, i32) {
    %c0_i32 = arith.constant 0 : i32
    %c0_i32_0 = arith.constant 0 : i32
    %c0_i32_1 = arith.constant 0 : i32
    return %c0_i32, %c0_i32_0 : i32, i32
  }
  func.func @transform_5(%arg0: i32) -> (i32, i32) {
    %c0_i32 = arith.constant 0 : i32
    %c0_i32_0 = arith.constant 0 : i32
    return %arg0, %c0_i32 : i32, i32
  }
  func.func @transform_6(%arg0: i32) -> (i32, i32) {
    %c0_i32 = arith.constant 0 : i32
    %c0_i32_0 = arith.constant 0 : i32
    return %c0_i32, %arg0 : i32, i32
  }
  func.func @transform_7(%arg0: i32) -> (i32, i32) {
    %c0_i32 = arith.constant 0 : i32
    %c0_i32_0 = arith.constant 0 : i32
    return %c0_i32, %arg0 : i32, i32
  }
}

</mosaic_0001>

<sc_bundles>
// kernel: closed_call.21.cloned.1.call-start
scs
__scs_entry_jumppad:
0x0: {  	(pc) =	sbr.rel $0x88, $3  }
0x1: {  	(tag) =	ssettag $0x0;
	lr =	simm.s32 $0x1  }
0x2: {  	[smem:$0x3F92] =	sst lr;
	_ =	strace $0xD0000000  }
0x3: {  	_ = 	snop  }
0x4: {  	_ = 	snop  }
0x5: {  	_ = 	snop  }
0x6: {  	_ = 	snop  }
0x7: {  	_ = 	snop  }
__scs_overlays_trampoline_lowered:
0x8: {  	[smem:$0x3FA1] =	sst s0  }
0x9: {  	[smem:$0x3FA2] =	sst s1  }
0xa: {  	[smem:$0x3FA3] =	sst s2  }
0xb: {  	[smem:$0x3FA4] =	sst s3  }
0xc: {  	[smem:$0x3FA5] =	sst s4  }
0xd: {  	[smem:$0x3FA6] =	sst s5  }
0xe: {  	[smem:$0x3FA7] =	sst s6  }
0xf: {  	[smem:$0x3FA8] =	sst s7  }
0x10: {  	[smem:$0x3FA9] =	sst s8  }
0x11: {  	[smem:$0x3FAA] =	sst s9;
	s0 =	simm.s32 @!p0 $0x0  }
0x12: {  	s1 =	sld [smem:$0x3F90];
	s0 =	simm.s32 @p0 $0x1  }
0x13: {  	[smem:$0x3FAB] =	sst s0;
	s0 =	simm.s32 @!p1 $0x0  }
0x14: {  	s2 =	sld [smem:$0x3F8F];
	s0 =	simm.s32 @p1 $0x1  }
0x15: {  	[smem:$0x3FAC] =	sst s0;
	s0 =	simm.s32 @!p2 $0x0  }
0x16: {  	s3 =	sld [smem:$0x3FDB];
	s0 =	simm.s32 @p2 $0x1  }
0x17: {  	s4 =	simm.s32 $0x1BF5;
	[smem:$0x3FAE] =	sst s0  }
0x18: {  	s0 =	sld [smem:$0x3F91];
	_ =	swait.ge [sflag:s4], $0x0  }
0x19: {  	s7 =	sld [smem:$0x3F92]  }
0x1a: {  	s8 =	sadd.s32 $0xFFFFE003, lr  }
0x1b: {  	s9 =	sadd.s32 $0xFFFFFEF7, lr;
	s5 =	simm.s32 $0xFFFFFFFF;
	p2 =	slt.u32 s8, $0xFFFFF086  }
0x1c: {  	p1 =	slt.u32 s9, $0xF7A;
	s5 =	simm.s32 @!p2 $0x0  }
0x1d: {  	s5 =	simm.s32 @p1 $0x1;
	p0 =	seq.s32 s7, s2  }
0x1e: {  	s7 =	smul.u32 @!p0 $0xF7A, s2;
	p2 =	seq.s32 @!p0 s5, $0x0  }
0x1f: {  	s9 =	smul.u32 $0xF7A, s1;
	s8 =	simm.s32 @!p0 $0x1BF5;
	p2 =	por !p2, p0  }
0x20: {  	[sflag:s8] =	ssyncset.s32 @!p0 $0xFFFFF086;
	s6 =	sadd.s32 @!p0 s3, s7;
	s7 =	simm.s32 @!p0 $0x108  }
0x21: {  	s3 =	sadd.s32 s3, s9;
	s6 =	sadd.s32 @!p0 $0x88, s6;
	s7 =	simm.s32 @p2 $0x1082  }
0x22: {  	[simem:s7], [sflag:s8] =	dma.local @!p0 [hbm:s6], $0xF7A  }
0x23: {  	s9 =	sor.u32 $0xD0000000, s2;
	s6 =	simm.s32 $0x108;
	_ =	swait.ge @!p0 [sflag:s8], $0x0  }
0x24: {  	s3 =	sadd.s32 $0x88, s3;
	s6 =	simm.s32 @!p1 $0x1082;
	[sflag:s4] =	ssyncset.s32 $0xFFFFF086  }
0x25: {  	[simem:s6], [sflag:s4] =	dma.local [hbm:s3], $0xF7A  }
0x26: {  	[smem:$0x3F92] =	sst s1;
	(tag) =	ssettag s2;
	_ =	strace s9  }
0x27: {  	s1 =	sld [smem:$0x3FA2]  }
0x28: {  	s2 =	sld [smem:$0x3FA3]  }
0x29: {  	s4 =	sld [smem:$0x3FA5]  }
0x2a: {  	p0 =	seq.s32 s5, $0x0;
	s5 =	sld [smem:$0x3FA6]  }
0x2b: {  	s6 =	sld [smem:$0x3FA7]  }
0x2c: {  	s7 =	sld [smem:$0x3FA8]  }
0x2d: {  	s3 =	simm.s32 $0x108;
	s8 =	sld [smem:$0x3FA9]  }
0x2e: {  	s3 =	simm.s32 @!p0 $0x1082;
	s9 =	sld [smem:$0x3FAA]  }
0x2f: {  	lr =	sadd.s32 s0, s3;
	s0 =	sld [smem:$0x3FA1]  }
0x30: {  	s3 =	sld [smem:$0x3FA4]  }
0x31: {  	[smem:$0x3FAD] =	sst s10  }
0x32: {  	s10 =	sld [smem:$0x3FAB];
	_ =	sdelay $0x3  }
0x33: {  	p0 =	seq.s32 s10, $0x1;
	s10 =	sld [smem:$0x3FAD];
	_ =	sdelay $0x3  }
0x34: {  	[smem:$0x3FAD] =	sst s10  }
0x35: {  	s10 =	sld [smem:$0x3FAC];
	_ =	sdelay $0x3  }
0x36: {  	p1 =	seq.s32 s10, $0x1;
	s10 =	sld [smem:$0x3FAD];
	_ =	sdelay $0x3  }
0x37: {  	[smem:$0x3FAD] =	sst s10  }
0x38: {  	s10 =	sld [smem:$0x3FAE]  }
0x39: {  	_ = 	snop;
	(pc) =	sbr.ind lr, $3  }
0x3a: {  	_ = 	snop  }
0x3b: {  	_ = 	snop  }
0x3c: {  	p2 =	seq.s32 s10, $0x1;
	s10 =	sld [smem:$0x3FAD]  }
0x3d: {  	_ =	shalt  }
0x3e: {  	_ =	shalt  }
0x3f: {  	_ =	shalt  }
0x40: {  	_ =	shalt  }
0x41: {  	_ =	shalt  }
0x42: {  	_ =	shalt  }
0x43: {  	_ =	shalt  }
0x44: {  	_ =	shalt  }
0x45: {  	_ =	shalt  }
0x46: {  	_ =	shalt  }
0x47: {  	_ =	shalt  }
0x48: {  	_ =	shalt  }
0x49: {  	_ =	shalt  }
0x4a: {  	_ =	shalt  }
0x4b: {  	_ =	shalt  }
0x4c: {  	_ =	shalt  }
0x4d: {  	_ =	shalt  }
0x4e: {  	_ =	shalt  }
0x4f: {  	_ =	shalt  }
0x50: {  	_ =	shalt  }
0x51: {  	_ =	shalt  }
0x52: {  	_ =	shalt  }
0x53: {  	_ =	shalt  }
0x54: {  	_ =	shalt  }
0x55: {  	_ =	shalt  }
0x56: {  	_ =	shalt  }
0x57: {  	_ =	shalt  }
0x58: {  	_ =	shalt  }
0x59: {  	_ =	shalt  }
0x5a: {  	_ =	shalt  }
0x5b: {  	_ =	shalt  }
0x5c: {  	_ =	shalt  }
0x5d: {  	_ =	shalt  }
0x5e: {  	_ =	shalt  }
0x5f: {  	_ =	shalt  }
0x60: {  	_ =	shalt  }
0x61: {  	_ =	shalt  }
0x62: {  	_ =	shalt  }
0x63: {  	_ =	shalt  }
0x64: {  	_ =	shalt  }
0x65: {  	_ =	shalt  }
0x66: {  	_ =	shalt  }
0x67: {  	_ =	shalt  }
0x68: {  	_ =	shalt  }
0x69: {  	_ =	shalt  }
0x6a: {  	_ =	shalt  }
0x6b: {  	_ =	shalt  }
0x6c: {  	_ =	shalt  }
0x6d: {  	_ =	shalt  }
0x6e: {  	_ =	shalt  }
0x6f: {  	_ =	shalt  }
0x70: {  	_ =	shalt  }
0x71: {  	_ =	shalt  }
0x72: {  	_ =	shalt  }
0x73: {  	_ =	shalt  }
0x74: {  	_ =	shalt  }
0x75: {  	_ =	shalt  }
0x76: {  	_ =	shalt  }
0x77: {  	_ =	shalt  }
0x78: {  	_ =	shalt  }
0x79: {  	_ =	shalt  }
0x7a: {  	_ =	shalt  }
0x7b: {  	_ =	shalt  }
0x7c: {  	_ =	shalt  }
0x7d: {  	_ =	shalt  }
0x7e: {  	_ =	shalt  }
0x7f: {  	_ =	shalt  }
0x80: {  	_ =	shalt  }
0x81: {  	_ =	shalt  }
0x82: {  	_ =	shalt  }
0x83: {  	_ =	shalt  }
0x84: {  	_ =	shalt  }
0x85: {  	_ =	shalt  }
0x86: {  	_ =	shalt  }
0x87: {  	_ =	shalt  }
.Lfunc_end0:
.L_simem_size_0:
called_computation_lowered:
.L_overlay_start_0:
0x88: {  	s2 =	sld [smem:$0x3FD9]  }
0x89: {  	s3 =	sld [smem:$0x3FFE];
	_ =	sdelay $0x1  }
0x8a: {  	s1 =	srdreg.scid  }
0x8b: {  	s0 =	sand.u32 $0x1, s1  }
0x8c: {  	s16 =	sshll.u32 s0, $0xA;
	s2 =	sadd.s32 s3, s2  }
0x8d: {  	s2 =	sadd.s32 s2, s16  }
0x8e: {  	[smem:$0x3FB9] =	sst s2  }
0x8f: {  	_ = 	snop  }
0x90: {  	(tm) =	ssettm $0x1  }
0x91: {  	s17 =	sld [smem:$0x3FFB];
	_ =	sdelay $0x3  }
0x92: {  	_ =	strace s17  }
0x93: {  	s2 =	sld [smem:$0x3FFC];
	_ =	sdelay $0x3  }
0x94: {  	_ =	strace s2  }
0x95: {  	s2 =	sld [smem:$0x3FFD];
	_ =	sdelay $0x3  }
0x96: {  	_ =	strace s2  }
0x97: {  	_ =	strace $0x8FFFFFFF  }
0x98: {  	s18 =	sld [smem:$0x3FDB];
	_ =	sdelay $0x1  }
0x99: {  	s19 =	simm.s32 $_scs_section_size  }
0x9a: {  	s4 =	simm.s32 $_size__tile_overlayer_lowered;
	s5 =	simm.s32 $_tile_overlayer_lowered  }
0x9b: {  	s22 =	simm.s32 $0x1BFF;
	s21 =	sshll.u32 s5, $0x1;
	s2 =	sadd.s32 s19, s18  }
0x9c: {  	s6 =	simm.s32 $0x0;
	s20 =	sshll.u32 s4, $0x1;
	s4 =	sadd.s32 s21, s2  }
0x9d: {  	[timem:s6], [sflag:s22] =	dma.local [hbm:s4], s20  }
0x9e: {  	_ =	swait.ge [sflag:s22], s20  }
0x9f: {  	s3 =	ssub.s32 $0x0, s20;
	[sflag:s22] =	ssyncset.done $0x0  }
0xa0: {  	[sflag:s22] =	ssyncadd.s32 s3;
	_ =	sdelay $0x1  }
0xa1: {  	s23 =	simm.s32 $0x1B8B  }
0xa2: {  	_ =	swait.ge [sflag:s23], $0x1  }
0xa3: {  	[sflag:s23] =	ssyncset.done $0x0  }
0xa4: {  	s25 =	simm.s32 $0x1B8E;
	s24 =	sld [smem:$0x3FFE];
	[sflag:s23] =	ssyncadd.s32 $0xFFFFFFFF  }
0xa5: {  	s26 =	simm.s32 $execute0_lowered;
	[smem:$0x3FD2] =	sst s25  }
0xa6: {  	s4 =	sshll.u32 s26, $0x1;
	_ =	strace $0x80000049;
	[dreg:$0x1] =	wrdreg $0xFFFFFFFF  }
0xa7: {  	s28 =	simm.s32 $_size_execute0_lowered;
	s2 =	sadd.s32 s2, s4;
	[dreg:$0x0] =	wrdreg $0x0  }
0xa8: {  	s4 =	sshll.u32 s28, $0x1;
	[dreg:$0x2] =	wrdreg s2  }
0xa9: {  	[dreg:$0x3] =	wrdreg s4  }
0xaa: {  	[dreg:$0x4] =	wrdreg $0xC0  }
0xab: {  	_ =	task [dreg:s6], $0x5FFFF  }
0xac: {  	[dreg:$0x1] =	wrdreg $0xFFFFFFFF  }
0xad: {  	[dreg:$0x0] =	wrdreg $0x60  }
0xae: {  	[dreg:$0x2] =	wrdreg s24  }
0xaf: {  	[dreg:$0x3] =	wrdreg $0x150000  }
0xb0: {  	[dreg:$0x4] =	wrdreg $0x9  }
0xb1: {  	_ =	task.clear_ibuf [dreg:s6], $0x5FFFF;
	_ =	strace $0x90000049  }
0xb2: {  	s29 =	simm.s32 $0x9;
	_ =	strace $0x8000004B  }
0xb3: {  	_ =	swait.ge [sflag:s29], $0x1  }
0xb4: {  	[sflag:s29] =	ssyncadd.s32 $0xFFFFFFFF  }
0xb5: {  	_ =	strace $0x9000004B  }
0xb6: {  	_ =	sfence  }
0xb7: {  	s30 =	sld [smem:$0x0];
	_ =	sdelay $0x2  }
0xb8: {  	s31 =	sshll.u32 s1, $0xD;
	s1 =	sshrl.u32 s1, $0x2  }
0xb9: {  	s3 =	sand.u32 $0x4000, s31;
	s1 =	sadd.s32 s1, s30  }
0xba: {  	s0 =	sor.u32 s3, s0;
	s1 =	sshll.u32 s1, $0x11  }
0xbb: {  	s0 =	sor.u32 s1, s0  }
0xbc: {  	s0 =	sadd.s32 $0x8F2B, s0  }
0xbd: {  	[sflag:s0] =	ssyncadd.remote.s32 $0x1  }
0xbe: {  	_ =	sfence.sel $0xFFFF  }
0xbf: {  	[dreg:$0x0] =	wrdreg $0xFFFFFFFF;
	(pc) =	sbr.abs _section_cstart, $3  }
0xc0: {  	[dreg:$0x1] =	wrdreg $0xFFFFFFFF  }
0xc1: {  	_ =	task.clear_ibuf [dreg:s6], $0x2FFFF;
	_ =	strace $0x9FFFFFFF  }
0xc2: {  	(tm) =	ssettm $0x7FFFFFFF  }
0xc3: {  	_ =	shalt  }
tec
execute0_lowered:
.L_overlay_start_1:
0x0: {  	(tag) =	ssettag $0x1  }
0x1: {  	s11 =	rddreg [dreg:$0x0]  }
0x2: {  	s2 =	rddreg [dreg:$0x1]  }
0x3: {  	s0 =	rddreg [dreg:$0x2]  }
0x4: {  	s1 =	stileid.u32;
	s4 =	srdreg.scid  }
0x5: {  	s3 =	simm.s32 $0x0;
	s17 =	simm.s32 $0xA000;
	s18 =	simm.s32 $0x80  }
0x6: {  	s19 =	simm.s32 $0x14000;
	s20 =	simm.s32 $0x1;
	s21 =	simm.s32 $0x0  }
0x7: {  	s14 =	sand.u32 $0x1, s4;
	s8 =	smul.u32 $0xA000, s1;
	[smem:$0x7FF] =	sst s3  }
0x8: {  	s4 =	sadd.s32 $0x4200, s11;
	s7 =	smul.u32 $0x1400, s1;
	s5 =	sadd.s32 $0x98A00, s11  }
0x9: {  	s31 =	sshll.u32 s1, $0x6;
	s6 =	smul.u32 $0x140000, s14;
	_ =	strace $0x8000004A  }
0xa: {  	s9 =	ssub.s32 $0x2, s14;
	p0 =	sne.s32 s14, $0x0;
	s14 =	simm.s32 $0x2  }
0xb: {  	s10 =	sadd.s32 s7, s11;
	s12 =	sshrl.u32 s9, $0x1;
	s16 =	sadd.s32 s8, s2  }
.Ltmp0:
0xc: {  	s6 =	sadd.s32 s8, s6;
	s15 =	ssub.s32 s9, s12;
	(pc) =	sbr.rel .LBB2_1-.Ltmp0, $4  }
0xd: {  	s7 =	sadd.s32 $0x2C200, s10;
	s8 =	sadd.s32 $0x52C00, s10;
	s30 =	sshrl.u32 s6, $0x3  }
0xe: {  	s10 =	sadd.s32 $0xAC2A0, s11;
	s16 =	sshrl.u32 s16, $0x3;
	s13 =	sadd.s32 s30, s11  }
0xf: {  	s6 =	sadd.s32 $0x66C00, s11;
	s11 =	sadd.s32 $0x17AA0, s11;
	s9 =	sadd.s32 $0xBFC00, s13  }
0x10: {  	s12 =	sadd.s32 $0xD3C00, s13;
	s13 =	smax.u32 s15, $0x1;
	s15 =	sor.u32 $0x1C02, s31  }
.LBB2_14:
0x11: {  	s22 =	sshra.s32 s22, $0x2;
	[sflag:s14] =	ssyncadd.s32 $0xFFFFF000  }
0x12: {  	[tilespmem:s19], [sflag:$0x1] =	stream.indirect.gather [hbm4b:s10+s18], $0x20, s22, s18, $0xb8;
	[tilespmem:$0x1F000] =	vst v63  }
0x13: {  	_ =	swait.ge [sflag:s20], $0x1000  }
0x14: {  	[sflag:s20] =	ssyncset.done $0x0  }
0x15: {  	s22 =	sadd.s32 $0xA000, s22;
	[sflag:s20] =	ssyncadd.s32 $0xFFFFF000  }
0x16: {  	[spmem:s2] =	stream.indirect.scatter.add.f32 [tilespmem:s19], [sflag:$0x2], $0x20, s22, s18, $0xb8;
	[tilespmem:$0x1F000] =	vst v63  }
0x17: {  	_ =	swait.ge [sflag:s14], $0x1000  }
0x18: {  	[sflag:s14] =	ssyncset.done $0x0  }
0x19: {  	[sflag:s14] =	ssyncadd.s32 $0xFFFFF000  }
.LBB2_15:
0x1a: {  	[bflag:$0x0] =	sbarrier.arrive $0xFFFF;
	s21 =	sadd.s32 $0x1, s21  }
0x1b: {  	[hbm:s12], [sflag:s15] =	dma.local [spmem:s16], $0x1400  }
0x1c: {  	p1 =	sne.s32 s21, s13  }
.Ltmp1:
0x1d: {  	_ =	swait.ge [sflag:s14], $0x1400;
	(pc) =	sbr.rel @!p1 .LBB2_16-.Ltmp1, $3  }
0x1e: {  	[sflag:s14] =	ssyncset.done $0x0  }
0x1f: {  	[sflag:s14] =	ssyncadd.s32 $0xFFFFEC00  }
0x20: {  	[bflag:$0x0] =	sbarrier.arrive $0xFFFF;
	_ =	sdelay $0x1  }
.LBB2_1:
0x21: {  	[tilespmem:s3], [sflag:$0x2] =	stream.linear.gather [hbm4b:s7+s3], $0xA000, $0x38;
	[tilespmem:$0x1F000] =	vst v63  }
0x22: {  	_ =	swait.ge [sflag:s14], $0xA000  }
0x23: {  	[sflag:s14] =	ssyncset.done $0x0  }
0x24: {  	[sflag:s14] =	ssyncadd.s32 $0xFFFF6000  }
0x25: {  	[spmem:s16], [sflag:s15] =	dma.local [hbm:s6], $0x1400  }
0x26: {  	_ =	swait.ge [sflag:s14], $0x1400  }
0x27: {  	[sflag:s14] =	ssyncset.done $0x0  }
0x28: {  	[sflag:s14] =	ssyncadd.s32 $0xFFFFEC00  }
.Ltmp2:
0x29: {  	[bflag:$0x0] =	sbarrier.arrive $0xFFFF;
	(pc) =	sbr.rel @p0 .LBB2_5-.Ltmp2, $4  }
0x2a: {  	[tilespmem:s17], [sflag:$0x2] =	stream.linear.gather [hbm4b:s8+s3], $0xA000, $0x38;
	[tilespmem:$0x1F000] =	vst v63  }
0x2b: {  	_ =	swait.ge [sflag:s14], $0xA000  }
0x2c: {  	[sflag:s14] =	ssyncset.done $0x0  }
0x2d: {  	s22 =	simm.s32 $0x0;
	[sflag:s14] =	ssyncadd.s32 $0xFFFF6000  }
0x2e: {  	[tilespmem:s19], [sflag:$0x1] =	stream.indirect.gather [hbm4b:s4+s18], $0x20, s22, s18, $0xb8;
	[tilespmem:$0x1F000] =	vst v63  }
0x2f: {  	_ =	swait.ge [sflag:s20], $0x1000  }
0x30: {  	[sflag:s20] =	ssyncset.done $0x0  }
0x31: {  	s31 =	simm.s32 $0xA000;
	[sflag:s20] =	ssyncadd.s32 $0xFFFFF000  }
0x32: {  	[spmem:s2] =	stream.indirect.scatter.add.f32 [tilespmem:s19], [sflag:$0x2], $0x20, s31, s18, $0xb8;
	[tilespmem:$0x1F000] =	vst v63  }
0x33: {  	_ =	swait.ge [sflag:s14], $0x1000  }
0x34: {  	s22 =	simm.s32 $0x200;
	s23 =	simm.s32 $0x400;
	[sflag:s14] =	ssyncset.done $0x0  }
.LBB2_3:
0x35: {  	s24 =	sshra.s32 s22, $0x2  }
0x36: {  	[sflag:s14] =	ssyncadd.s32 $0xFFFFF000;
	s22 =	smov.u32 s23;
	s25 =	sadd.s32 $0x200, s23  }
0x37: {  	[tilespmem:s19], [sflag:$0x1] =	stream.indirect.gather [hbm4b:s4+s18], $0x20, s24, s18, $0xb8;
	[tilespmem:$0x1F000] =	vst v63  }
0x38: {  	p1 =	seq.s32 s23, $0x27E00;
	_ =	swait.ge [sflag:s20], $0x1000  }
.Ltmp3:
0x39: {  	[sflag:s20] =	ssyncset.done $0x0;
	(pc) =	sbr.rel @!p1 .LBB2_3-.Ltmp3, $4  }
0x3a: {  	s23 =	sadd.s32 $0xA000, s24;
	[sflag:s20] =	ssyncadd.s32 $0xFFFFF000  }
0x3b: {  	[spmem:s2] =	stream.indirect.scatter.add.f32 [tilespmem:s19], [sflag:$0x2], $0x20, s23, s18, $0xb8;
	[tilespmem:$0x1F000] =	vst v63  }
0x3c: {  	_ =	swait.ge [sflag:s14], $0x1000  }
0x3d: {  	s23 =	smov.u32 s25;
	[sflag:s14] =	ssyncset.done $0x0  }
0x3e: {  	s22 =	sshra.s32 s22, $0x2;
	[sflag:s14] =	ssyncadd.s32 $0xFFFFF000  }
0x3f: {  	[tilespmem:s19], [sflag:$0x1] =	stream.indirect.gather [hbm4b:s4+s18], $0x20, s22, s18, $0xb8;
	[tilespmem:$0x1F000] =	vst v63  }
0x40: {  	_ =	swait.ge [sflag:s20], $0x1000  }
0x41: {  	[sflag:s20] =	ssyncset.done $0x0  }
.Ltmp4:
0x42: {  	s22 =	sadd.s32 $0xA000, s22;
	[sflag:s20] =	ssyncadd.s32 $0xFFFFF000;
	(pc) =	sbr.rel .LBB2_8-.Ltmp4, $4  }
0x43: {  	[spmem:s2] =	stream.indirect.scatter.add.f32 [tilespmem:s19], [sflag:$0x2], $0x20, s22, s18, $0xb8;
	[tilespmem:$0x1F000] =	vst v63  }
0x44: {  	_ =	swait.ge [sflag:s14], $0x1000  }
0x45: {  	[sflag:s14] =	ssyncset.done $0x0  }
0x46: {  	[sflag:s14] =	ssyncadd.s32 $0xFFFFF000  }
.LBB2_5:
0x47: {  	[tilespmem:s19], [sflag:$0x1] =	stream.indirect.gather [hbm4b:s5+s18], $0x20, s22, s18, $0xb8;
	[tilespmem:$0x1F000] =	vst v63  }
0x48: {  	_ =	swait.ge [sflag:s20], $0x1000  }
0x49: {  	[sflag:s20] =	ssyncset.done $0x0  }
0x4a: {  	s31 =	simm.s32 $0xA000;
	[sflag:s20] =	ssyncadd.s32 $0xFFFFF000  }
0x4b: {  	[spmem:s2] =	stream.indirect.scatter.add.f32 [tilespmem:s19], [sflag:$0x2], $0x20, s31, s18, $0xb8;
	[tilespmem:$0x1F000] =	vst v63  }
0x4c: {  	_ =	swait.ge [sflag:s14], $0x1000  }
0x4d: {  	s22 =	simm.s32 $0x200;
	s23 =	simm.s32 $0x400;
	[sflag:s14] =	ssyncset.done $0x0  }
.LBB2_6:
0x4e: {  	s24 =	sshra.s32 s22, $0x2  }
0x4f: {  	[sflag:s14] =	ssyncadd.s32 $0xFFFFF000;
	s22 =	smov.u32 s23;
	s25 =	sadd.s32 $0x200, s23  }
0x50: {  	[tilespmem:s19], [sflag:$0x1] =	stream.indirect.gather [hbm4b:s5+s18], $0x20, s24, s18, $0xb8;
	[tilespmem:$0x1F000] =	vst v63  }
0x51: {  	p1 =	sne.s32 s23, $0x27E00;
	_ =	swait.ge [sflag:s20], $0x1000  }
.Ltmp5:
0x52: {  	[sflag:s20] =	ssyncset.done $0x0;
	(pc) =	sbr.rel @p1 .LBB2_6-.Ltmp5, $4  }
0x53: {  	s23 =	sadd.s32 $0xA000, s24;
	[sflag:s20] =	ssyncadd.s32 $0xFFFFF000  }
0x54: {  	[spmem:s2] =	stream.indirect.scatter.add.f32 [tilespmem:s19], [sflag:$0x2], $0x20, s23, s18, $0xb8;
	[tilespmem:$0x1F000] =	vst v63  }
0x55: {  	_ =	swait.ge [sflag:s14], $0x1000  }
0x56: {  	s23 =	smov.u32 s25;
	[sflag:s14] =	ssyncset.done $0x0  }
0x57: {  	s22 =	sshra.s32 s22, $0x2;
	[sflag:s14] =	ssyncadd.s32 $0xFFFFF000  }
0x58: {  	[tilespmem:s19], [sflag:$0x1] =	stream.indirect.gather [hbm4b:s5+s18], $0x20, s22, s18, $0xb8;
	[tilespmem:$0x1F000] =	vst v63  }
0x59: {  	_ =	swait.ge [sflag:s20], $0x1000  }
0x5a: {  	[sflag:s20] =	ssyncset.done $0x0  }
0x5b: {  	s22 =	sadd.s32 $0xA000, s22;
	[sflag:s20] =	ssyncadd.s32 $0xFFFFF000  }
0x5c: {  	[spmem:s2] =	stream.indirect.scatter.add.f32 [tilespmem:s19], [sflag:$0x2], $0x20, s22, s18, $0xb8;
	[tilespmem:$0x1F000] =	vst v63  }
0x5d: {  	_ =	swait.ge [sflag:s14], $0x1000  }
0x5e: {  	[sflag:s14] =	ssyncset.done $0x0  }
0x5f: {  	[sflag:s14] =	ssyncadd.s32 $0xFFFFF000  }
.LBB2_8:
0x60: {  	[bflag:$0x0] =	sbarrier.arrive $0xFFFF  }
0x61: {  	[hbm:s9], [sflag:s15] =	dma.local [spmem:s16], $0x1400  }
0x62: {  	_ =	swait.ge [sflag:s14], $0x1400  }
0x63: {  	[sflag:s14] =	ssyncset.done $0x0  }
0x64: {  	[sflag:s14] =	ssyncadd.s32 $0xFFFFEC00  }
0x65: {  	[bflag:$0x0] =	sbarrier.arrive $0xFFFF  }
0x66: {  	[spmem:s16], [sflag:s15] =	dma.local [hbm:s6], $0x1400  }
0x67: {  	_ =	swait.ge [sflag:s14], $0x1400  }
0x68: {  	[sflag:s14] =	ssyncset.done $0x0  }
0x69: {  	[sflag:s14] =	ssyncadd.s32 $0xFFFFEC00  }
.Ltmp6:
0x6a: {  	[bflag:$0x0] =	sbarrier.arrive $0xFFFF;
	(pc) =	sbr.rel @p0 .LBB2_12-.Ltmp6, $4  }
0x6b: {  	[tilespmem:s17], [sflag:$0x2] =	stream.linear.gather [hbm4b:s8+s3], $0xA000, $0x38;
	[tilespmem:$0x1F000] =	vst v63  }
0x6c: {  	_ =	swait.ge [sflag:s14], $0xA000  }
0x6d: {  	[sflag:s14] =	ssyncset.done $0x0  }
0x6e: {  	s22 =	simm.s32 $0x0;
	[sflag:s14] =	ssyncadd.s32 $0xFFFF6000  }
0x6f: {  	[tilespmem:s19], [sflag:$0x1] =	stream.indirect.gather [hbm4b:s11+s18], $0x20, s22, s18, $0xb8;
	[tilespmem:$0x1F000] =	vst v63  }
0x70: {  	_ =	swait.ge [sflag:s20], $0x1000  }
0x71: {  	[sflag:s20] =	ssyncset.done $0x0  }
0x72: {  	s31 =	simm.s32 $0xA000;
	[sflag:s20] =	ssyncadd.s32 $0xFFFFF000  }
0x73: {  	[spmem:s2] =	stream.indirect.scatter.add.f32 [tilespmem:s19], [sflag:$0x2], $0x20, s31, s18, $0xb8;
	[tilespmem:$0x1F000] =	vst v63  }
0x74: {  	_ =	swait.ge [sflag:s14], $0x1000  }
0x75: {  	s22 =	simm.s32 $0x200;
	s23 =	simm.s32 $0x400;
	[sflag:s14] =	ssyncset.done $0x0  }
.LBB2_10:
0x76: {  	s24 =	sshra.s32 s22, $0x2  }
0x77: {  	[sflag:s14] =	ssyncadd.s32 $0xFFFFF000;
	s22 =	smov.u32 s23;
	s25 =	sadd.s32 $0x200, s23  }
0x78: {  	[tilespmem:s19], [sflag:$0x1] =	stream.indirect.gather [hbm4b:s11+s18], $0x20, s24, s18, $0xb8;
	[tilespmem:$0x1F000] =	vst v63  }
0x79: {  	p1 =	seq.s32 s23, $0x27E00;
	_ =	swait.ge [sflag:s20], $0x1000  }
.Ltmp7:
0x7a: {  	[sflag:s20] =	ssyncset.done $0x0;
	(pc) =	sbr.rel @!p1 .LBB2_10-.Ltmp7, $4  }
0x7b: {  	s23 =	sadd.s32 $0xA000, s24;
	[sflag:s20] =	ssyncadd.s32 $0xFFFFF000  }
0x7c: {  	[spmem:s2] =	stream.indirect.scatter.add.f32 [tilespmem:s19], [sflag:$0x2], $0x20, s23, s18, $0xb8;
	[tilespmem:$0x1F000] =	vst v63  }
0x7d: {  	_ =	swait.ge [sflag:s14], $0x1000  }
0x7e: {  	s23 =	smov.u32 s25;
	[sflag:s14] =	ssyncset.done $0x0  }
0x7f: {  	s22 =	sshra.s32 s22, $0x2;
	[sflag:s14] =	ssyncadd.s32 $0xFFFFF000  }
0x80: {  	[tilespmem:s19], [sflag:$0x1] =	stream.indirect.gather [hbm4b:s11+s18], $0x20, s22, s18, $0xb8;
	[tilespmem:$0x1F000] =	vst v63  }
0x81: {  	_ =	swait.ge [sflag:s20], $0x1000  }
0x82: {  	[sflag:s20] =	ssyncset.done $0x0  }
.Ltmp8:
0x83: {  	s22 =	sadd.s32 $0xA000, s22;
	[sflag:s20] =	ssyncadd.s32 $0xFFFFF000;
	(pc) =	sbr.rel .LBB2_15-.Ltmp8, $4  }
0x84: {  	[spmem:s2] =	stream.indirect.scatter.add.f32 [tilespmem:s19], [sflag:$0x2], $0x20, s22, s18, $0xb8;
	[tilespmem:$0x1F000] =	vst v63  }
0x85: {  	_ =	swait.ge [sflag:s14], $0x1000  }
0x86: {  	[sflag:s14] =	ssyncset.done $0x0  }
0x87: {  	[sflag:s14] =	ssyncadd.s32 $0xFFFFF000  }
.LBB2_12:
0x88: {  	[tilespmem:s19], [sflag:$0x1] =	stream.indirect.gather [hbm4b:s10+s18], $0x20, s22, s18, $0xb8;
	[tilespmem:$0x1F000] =	vst v63  }
0x89: {  	_ =	swait.ge [sflag:s20], $0x1000  }
0x8a: {  	[sflag:s20] =	ssyncset.done $0x0  }
0x8b: {  	s31 =	simm.s32 $0xA000;
	[sflag:s20] =	ssyncadd.s32 $0xFFFFF000  }
0x8c: {  	[spmem:s2] =	stream.indirect.scatter.add.f32 [tilespmem:s19], [sflag:$0x2], $0x20, s31, s18, $0xb8;
	[tilespmem:$0x1F000] =	vst v63  }
0x8d: {  	_ =	swait.ge [sflag:s14], $0x1000  }
0x8e: {  	s22 =	simm.s32 $0x200;
	s23 =	simm.s32 $0x400;
	[sflag:s14] =	ssyncset.done $0x0  }
.LBB2_13:
0x8f: {  	s24 =	sshra.s32 s22, $0x2  }
0x90: {  	[sflag:s14] =	ssyncadd.s32 $0xFFFFF000;
	s22 =	smov.u32 s23;
	s25 =	sadd.s32 $0x200, s23  }
0x91: {  	[tilespmem:s19], [sflag:$0x1] =	stream.indirect.gather [hbm4b:s10+s18], $0x20, s24, s18, $0xb8;
	[tilespmem:$0x1F000] =	vst v63  }
0x92: {  	p1 =	sne.s32 s23, $0x27E00;
	_ =	swait.ge [sflag:s20], $0x1000  }
.Ltmp9:
0x93: {  	[sflag:s20] =	ssyncset.done $0x0;
	(pc) =	sbr.rel @p1 .LBB2_13-.Ltmp9, $4  }
0x94: {  	s23 =	sadd.s32 $0xA000, s24;
	[sflag:s20] =	ssyncadd.s32 $0xFFFFF000  }
0x95: {  	[spmem:s2] =	stream.indirect.scatter.add.f32 [tilespmem:s19], [sflag:$0x2], $0x20, s23, s18, $0xb8;
	[tilespmem:$0x1F000] =	vst v63  }
0x96: {  	_ =	swait.ge [sflag:s14], $0x1000  }
0x97: {  	s23 =	smov.u32 s25;
	[sflag:s14] =	ssyncset.done $0x0  }
.Ltmp10:
0x98: {  	_ = 	snop;
	(pc) =	sbr.rel .LBB2_14-.Ltmp10, $1  }
0x99: {  	_ =	sdelay $0x3  }
.LBB2_16:
0x9a: {  	_ =	sfence.sel $0x180000  }
0x9b: {  	[bflag:$0x0] =	sbarrier.arrive $0xFFFF  }
0x9c: {  	p0 =	sne.s32 s1, $0x0;
	_ =	strace $0x9000004A  }
0x9d: {  	s0 =	sadd.s32 @!p0 $0x100000, s0;
	[bflag:$0x2] =	sbarrier.arrive $0xFFFF  }
0x9e: {  	[sflag:s0] =	ssyncadd.tile.s32 @!p0 $0x1;
	_ =	shalt  }
.Lfunc_end2:
_tile_overlayer_lowered:
.L_overlay_start_2:
0x9f: {  	(tag) =	ssettag $0x2  }
0xa0: {  	s0 =	rddreg [dreg:$0x0];
	s2 =	stileid.u32  }
0xa1: {  	s1 =	rddreg [dreg:$0x1];
	p0 =	sne.s32 s2, $0x0  }
0xa2: {  	s3 =	rddreg [dreg:$0x2];
	[bflag:$0x3] =	sbarrier.arrive $0xFFFF;
	s2 =	simm.s32 @!p0 $0x1C02  }
0xa3: {  	[timem:s3], [sflag:s2] =	dma.local @!p0 [hbm:s0], s1  }
0xa4: {  	s0 =	simm.s32 @!p0 $0x2  }
0xa5: {  	_ =	swait.ge @!p0 [sflag:s0], s1  }
0xa6: {  	s1 =	ssub.s32 @!p0 $0x0, s1;
	[sflag:s0] =	ssyncset.done @!p0 $0x0  }
0xa7: {  	[sflag:s0] =	ssyncadd.s32 @!p0 s1  }
0xa8: {  	[bflag:$0x3] =	sbarrier.arrive $0xFFFF  }
0xa9: {  	_ =	shalt  }

// kernel: kernel.6.cloned.1.call-start
scs
__scs_entry_jumppad:
0x0: {  	(pc) =	sbr.rel $0x88, $3  }
0x1: {  	(tag) =	ssettag $0x0;
	lr =	simm.s32 $0x1  }
0x2: {  	[smem:$0x3F92] =	sst lr;
	_ =	strace $0xD0000000  }
0x3: {  	_ = 	snop  }
0x4: {  	_ = 	snop  }
0x5: {  	_ = 	snop  }
0x6: {  	_ = 	snop  }
0x7: {  	_ = 	snop  }
__scs_overlays_trampoline_lowered:
0x8: {  	[smem:$0x3FA1] =	sst s0  }
0x9: {  	[smem:$0x3FA2] =	sst s1  }
0xa: {  	[smem:$0x3FA3] =	sst s2  }
0xb: {  	[smem:$0x3FA4] =	sst s3  }
0xc: {  	[smem:$0x3FA5] =	sst s4  }
0xd: {  	[smem:$0x3FA6] =	sst s5  }
0xe: {  	[smem:$0x3FA7] =	sst s6  }
0xf: {  	[smem:$0x3FA8] =	sst s7  }
0x10: {  	[smem:$0x3FA9] =	sst s8  }
0x11: {  	[smem:$0x3FAA] =	sst s9;
	s0 =	simm.s32 @!p0 $0x0  }
0x12: {  	s1 =	sld [smem:$0x3F90];
	s0 =	simm.s32 @p0 $0x1  }
0x13: {  	[smem:$0x3FAB] =	sst s0;
	s0 =	simm.s32 @!p1 $0x0  }
0x14: {  	s2 =	sld [smem:$0x3F8F];
	s0 =	simm.s32 @p1 $0x1  }
0x15: {  	[smem:$0x3FAC] =	sst s0;
	s0 =	simm.s32 @!p2 $0x0  }
0x16: {  	s3 =	sld [smem:$0x3FDB];
	s0 =	simm.s32 @p2 $0x1  }
0x17: {  	s4 =	simm.s32 $0x1BF5;
	[smem:$0x3FAE] =	sst s0  }
0x18: {  	s0 =	sld [smem:$0x3F91];
	_ =	swait.ge [sflag:s4], $0x0  }
0x19: {  	s7 =	sld [smem:$0x3F92]  }
0x1a: {  	s8 =	sadd.s32 $0xFFFFE003, lr  }
0x1b: {  	s9 =	sadd.s32 $0xFFFFFEF7, lr;
	s5 =	simm.s32 $0xFFFFFFFF;
	p2 =	slt.u32 s8, $0xFFFFF086  }
0x1c: {  	p1 =	slt.u32 s9, $0xF7A;
	s5 =	simm.s32 @!p2 $0x0  }
0x1d: {  	s5 =	simm.s32 @p1 $0x1;
	p0 =	seq.s32 s7, s2  }
0x1e: {  	s7 =	smul.u32 @!p0 $0xF7A, s2;
	p2 =	seq.s32 @!p0 s5, $0x0  }
0x1f: {  	s9 =	smul.u32 $0xF7A, s1;
	s8 =	simm.s32 @!p0 $0x1BF5;
	p2 =	por !p2, p0  }
0x20: {  	[sflag:s8] =	ssyncset.s32 @!p0 $0xFFFFF086;
	s6 =	sadd.s32 @!p0 s3, s7;
	s7 =	simm.s32 @!p0 $0x108  }
0x21: {  	s3 =	sadd.s32 s3, s9;
	s6 =	sadd.s32 @!p0 $0x88, s6;
	s7 =	simm.s32 @p2 $0x1082  }
0x22: {  	[simem:s7], [sflag:s8] =	dma.local @!p0 [hbm:s6], $0xF7A  }
0x23: {  	s9 =	sor.u32 $0xD0000000, s2;
	s6 =	simm.s32 $0x108;
	_ =	swait.ge @!p0 [sflag:s8], $0x0  }
0x24: {  	s3 =	sadd.s32 $0x88, s3;
	s6 =	simm.s32 @!p1 $0x1082;
	[sflag:s4] =	ssyncset.s32 $0xFFFFF086  }
0x25: {  	[simem:s6], [sflag:s4] =	dma.local [hbm:s3], $0xF7A  }
0x26: {  	[smem:$0x3F92] =	sst s1;
	(tag) =	ssettag s2;
	_ =	strace s9  }
0x27: {  	s1 =	sld [smem:$0x3FA2]  }
0x28: {  	s2 =	sld [smem:$0x3FA3]  }
0x29: {  	s4 =	sld [smem:$0x3FA5]  }
0x2a: {  	p0 =	seq.s32 s5, $0x0;
	s5 =	sld [smem:$0x3FA6]  }
0x2b: {  	s6 =	sld [smem:$0x3FA7]  }
0x2c: {  	s7 =	sld [smem:$0x3FA8]  }
0x2d: {  	s3 =	simm.s32 $0x108;
	s8 =	sld [smem:$0x3FA9]  }
0x2e: {  	s3 =	simm.s32 @!p0 $0x1082;
	s9 =	sld [smem:$0x3FAA]  }
0x2f: {  	lr =	sadd.s32 s0, s3;
	s0 =	sld [smem:$0x3FA1]  }
0x30: {  	s3 =	sld [smem:$0x3FA4]  }
0x31: {  	[smem:$0x3FAD] =	sst s10  }
0x32: {  	s10 =	sld [smem:$0x3FAB];
	_ =	sdelay $0x3  }
0x33: {  	p0 =	seq.s32 s10, $0x1;
	s10 =	sld [smem:$0x3FAD];
	_ =	sdelay $0x3  }
0x34: {  	[smem:$0x3FAD] =	sst s10  }
0x35: {  	s10 =	sld [smem:$0x3FAC];
	_ =	sdelay $0x3  }
0x36: {  	p1 =	seq.s32 s10, $0x1;
	s10 =	sld [smem:$0x3FAD];
	_ =	sdelay $0x3  }
0x37: {  	[smem:$0x3FAD] =	sst s10  }
0x38: {  	s10 =	sld [smem:$0x3FAE]  }
0x39: {  	_ = 	snop;
	(pc) =	sbr.ind lr, $3  }
0x3a: {  	_ = 	snop  }
0x3b: {  	_ = 	snop  }
0x3c: {  	p2 =	seq.s32 s10, $0x1;
	s10 =	sld [smem:$0x3FAD]  }
0x3d: {  	_ =	shalt  }
0x3e: {  	_ =	shalt  }
0x3f: {  	_ =	shalt  }
0x40: {  	_ =	shalt  }
0x41: {  	_ =	shalt  }
0x42: {  	_ =	shalt  }
0x43: {  	_ =	shalt  }
0x44: {  	_ =	shalt  }
0x45: {  	_ =	shalt  }
0x46: {  	_ =	shalt  }
0x47: {  	_ =	shalt  }
0x48: {  	_ =	shalt  }
0x49: {  	_ =	shalt  }
0x4a: {  	_ =	shalt  }
0x4b: {  	_ =	shalt  }
0x4c: {  	_ =	shalt  }
0x4d: {  	_ =	shalt  }
0x4e: {  	_ =	shalt  }
0x4f: {  	_ =	shalt  }
0x50: {  	_ =	shalt  }
0x51: {  	_ =	shalt  }
0x52: {  	_ =	shalt  }
0x53: {  	_ =	shalt  }
0x54: {  	_ =	shalt  }
0x55: {  	_ =	shalt  }
0x56: {  	_ =	shalt  }
0x57: {  	_ =	shalt  }
0x58: {  	_ =	shalt  }
0x59: {  	_ =	shalt  }
0x5a: {  	_ =	shalt  }
0x5b: {  	_ =	shalt  }
0x5c: {  	_ =	shalt  }
0x5d: {  	_ =	shalt  }
0x5e: {  	_ =	shalt  }
0x5f: {  	_ =	shalt  }
0x60: {  	_ =	shalt  }
0x61: {  	_ =	shalt  }
0x62: {  	_ =	shalt  }
0x63: {  	_ =	shalt  }
0x64: {  	_ =	shalt  }
0x65: {  	_ =	shalt  }
0x66: {  	_ =	shalt  }
0x67: {  	_ =	shalt  }
0x68: {  	_ =	shalt  }
0x69: {  	_ =	shalt  }
0x6a: {  	_ =	shalt  }
0x6b: {  	_ =	shalt  }
0x6c: {  	_ =	shalt  }
0x6d: {  	_ =	shalt  }
0x6e: {  	_ =	shalt  }
0x6f: {  	_ =	shalt  }
0x70: {  	_ =	shalt  }
0x71: {  	_ =	shalt  }
0x72: {  	_ =	shalt  }
0x73: {  	_ =	shalt  }
0x74: {  	_ =	shalt  }
0x75: {  	_ =	shalt  }
0x76: {  	_ =	shalt  }
0x77: {  	_ =	shalt  }
0x78: {  	_ =	shalt  }
0x79: {  	_ =	shalt  }
0x7a: {  	_ =	shalt  }
0x7b: {  	_ =	shalt  }
0x7c: {  	_ =	shalt  }
0x7d: {  	_ =	shalt  }
0x7e: {  	_ =	shalt  }
0x7f: {  	_ =	shalt  }
0x80: {  	_ =	shalt  }
0x81: {  	_ =	shalt  }
0x82: {  	_ =	shalt  }
0x83: {  	_ =	shalt  }
0x84: {  	_ =	shalt  }
0x85: {  	_ =	shalt  }
0x86: {  	_ =	shalt  }
0x87: {  	_ =	shalt  }
.Lfunc_end0:
.L_simem_size_0:
called_computation.1_lowered:
.L_overlay_start_0:
0x88: {  	s2 =	sld [smem:$0x3FD9]  }
0x89: {  	s3 =	sld [smem:$0x3FFE];
	_ =	sdelay $0x1  }
0x8a: {  	s1 =	srdreg.scid  }
0x8b: {  	s0 =	sand.u32 $0x1, s1  }
0x8c: {  	s16 =	sshll.u32 s0, $0xA;
	s2 =	sadd.s32 s3, s2  }
0x8d: {  	s2 =	sadd.s32 s2, s16  }
0x8e: {  	[smem:$0x3FB9] =	sst s2  }
0x8f: {  	_ = 	snop  }
0x90: {  	(tm) =	ssettm $0x1  }
0x91: {  	s17 =	sld [smem:$0x3FFB];
	_ =	sdelay $0x3  }
0x92: {  	_ =	strace s17  }
0x93: {  	s2 =	sld [smem:$0x3FFC];
	_ =	sdelay $0x3  }
0x94: {  	_ =	strace s2  }
0x95: {  	s2 =	sld [smem:$0x3FFD];
	_ =	sdelay $0x3  }
0x96: {  	_ =	strace s2  }
0x97: {  	_ =	strace $0x8FFFFFFF  }
0x98: {  	s18 =	sld [smem:$0x3FDB];
	_ =	sdelay $0x1  }
0x99: {  	s19 =	simm.s32 $_scs_section_size  }
0x9a: {  	s4 =	simm.s32 $_size__tile_overlayer_lowered;
	s5 =	simm.s32 $_tile_overlayer_lowered  }
0x9b: {  	s22 =	simm.s32 $0x1BFF;
	s21 =	sshll.u32 s5, $0x1;
	s2 =	sadd.s32 s19, s18  }
0x9c: {  	s6 =	simm.s32 $0x0;
	s20 =	sshll.u32 s4, $0x1;
	s4 =	sadd.s32 s21, s2  }
0x9d: {  	[timem:s6], [sflag:s22] =	dma.local [hbm:s4], s20  }
0x9e: {  	_ =	swait.ge [sflag:s22], s20  }
0x9f: {  	s3 =	ssub.s32 $0x0, s20;
	[sflag:s22] =	ssyncset.done $0x0  }
0xa0: {  	[sflag:s22] =	ssyncadd.s32 s3;
	_ =	sdelay $0x1  }
0xa1: {  	s23 =	simm.s32 $0x1B8B  }
0xa2: {  	_ =	swait.ge [sflag:s23], $0x1  }
0xa3: {  	[sflag:s23] =	ssyncset.done $0x0  }
0xa4: {  	s25 =	simm.s32 $0x1B8E;
	s24 =	sld [smem:$0x3FFE];
	[sflag:s23] =	ssyncadd.s32 $0xFFFFFFFF  }
0xa5: {  	s26 =	simm.s32 $execute0_lowered;
	[smem:$0x3FD2] =	sst s25  }
0xa6: {  	s4 =	sshll.u32 s26, $0x1;
	_ =	strace $0x80000046;
	[dreg:$0x1] =	wrdreg $0xFFFFFFFF  }
0xa7: {  	s28 =	simm.s32 $_size_execute0_lowered;
	s2 =	sadd.s32 s2, s4;
	[dreg:$0x0] =	wrdreg $0x0  }
0xa8: {  	s4 =	sshll.u32 s28, $0x1;
	[dreg:$0x2] =	wrdreg s2  }
0xa9: {  	[dreg:$0x3] =	wrdreg s4  }
0xaa: {  	[dreg:$0x4] =	wrdreg $0xC0  }
0xab: {  	_ =	task [dreg:s6], $0x5FFFF  }
0xac: {  	[dreg:$0x1] =	wrdreg $0xFFFFFFFF  }
0xad: {  	[dreg:$0x0] =	wrdreg $0x60  }
0xae: {  	[dreg:$0x2] =	wrdreg s24  }
0xaf: {  	[dreg:$0x3] =	wrdreg $0xA8000  }
0xb0: {  	[dreg:$0x4] =	wrdreg $0x9  }
0xb1: {  	_ =	task.clear_ibuf [dreg:s6], $0x5FFFF;
	_ =	strace $0x90000046  }
0xb2: {  	s29 =	simm.s32 $0x9;
	_ =	strace $0x80000048  }
0xb3: {  	_ =	swait.ge [sflag:s29], $0x1  }
0xb4: {  	[sflag:s29] =	ssyncadd.s32 $0xFFFFFFFF  }
0xb5: {  	_ =	strace $0x90000048  }
0xb6: {  	_ =	sfence  }
0xb7: {  	s30 =	sld [smem:$0x0];
	_ =	sdelay $0x2  }
0xb8: {  	s31 =	sshll.u32 s1, $0xD;
	s1 =	sshrl.u32 s1, $0x2  }
0xb9: {  	s3 =	sand.u32 $0x4000, s31;
	s1 =	sadd.s32 s1, s30  }
0xba: {  	s0 =	sor.u32 s3, s0;
	s1 =	sshll.u32 s1, $0x11  }
0xbb: {  	s0 =	sor.u32 s1, s0  }
0xbc: {  	s0 =	sadd.s32 $0x8F2B, s0  }
0xbd: {  	[sflag:s0] =	ssyncadd.remote.s32 $0x1  }
0xbe: {  	_ =	sfence.sel $0xFFFF  }
0xbf: {  	[dreg:$0x0] =	wrdreg $0xFFFFFFFF;
	(pc) =	sbr.abs _section_cstart, $3  }
0xc0: {  	[dreg:$0x1] =	wrdreg $0xFFFFFFFF  }
0xc1: {  	_ =	task.clear_ibuf [dreg:s6], $0x2FFFF;
	_ =	strace $0x9FFFFFFF  }
0xc2: {  	(tm) =	ssettm $0x7FFFFFFF  }
0xc3: {  	_ =	shalt  }
tec
execute0_lowered:
.L_overlay_start_1:
0x0: {  	(tag) =	ssettag $0x1  }
0x1: {  	s6 =	rddreg [dreg:$0x0]  }
0x2: {  	s2 =	rddreg [dreg:$0x1]  }
0x3: {  	s0 =	rddreg [dreg:$0x2]  }
0x4: {  	s3 =	simm.s32 $0x0;
	s4 =	srdreg.scid;
	s1 =	stileid.u32  }
0x5: {  	s13 =	simm.s32 $0x5000;
	s14 =	simm.s32 $0x80;
	s15 =	simm.s32 $0xA000  }
0x6: {  	s16 =	simm.s32 $0x1;
	s17 =	simm.s32 $0x0;
	s7 =	sand.u32 $0x1, s4  }
0x7: {  	s29 =	sshll.u32 s1, $0x1;
	s8 =	smul.u32 $0x5000, s1;
	[smem:$0x7FF] =	sst s3  }
0x8: {  	s31 =	sshll.u32 s1, $0x6;
	s4 =	sor.u32 s7, s29;
	s5 =	smul.u32 $0x50000, s7  }
0x9: {  	_ =	strace $0x80000047;
	s10 =	ssub.s32 $0x2, s7;
	p0 =	seq.s32 s7, $0x1  }
0xa: {  	s9 =	smul.u32 $0xA00, s4;
	s4 =	sadd.s32 $0x52C00, s6;
	s12 =	sshrl.u32 s10, $0x1  }
.Ltmp0:
0xb: {  	s30 =	sadd.s32 s8, s2;
	s5 =	sadd.s32 s8, s5;
	(pc) =	sbr.rel .LBB2_1-.Ltmp0, $4  }
0xc: {  	s10 =	ssub.s32 s10, s12;
	s12 =	sshrl.u32 s30, $0x3;
	s11 =	sshrl.u32 s5, $0x3  }
0xd: {  	s9 =	sadd.s32 s9, s6;
	s5 =	sadd.s32 $0x40200, s6;
	s11 =	sadd.s32 s11, s6  }
0xe: {  	s6 =	sadd.s32 $0x18200, s9;
	s7 =	sadd.s32 $0x4200, s9;
	s9 =	smax.u32 s10, $0x1  }
0xf: {  	s10 =	simm.s32 $0x2;
	s8 =	sadd.s32 $0x5CA00, s11;
	s11 =	sor.u32 $0x1C02, s31  }
.LBB2_7:
0x10: {  	s18 =	sshra.s32 s18, $0x2;
	[sflag:s10] =	ssyncadd.s32 $0xFFFFF800  }
0x11: {  	[tilespmem:s15], [sflag:$0x1] =	stream.indirect.gather [hbm4b:s4+s14], $0x10, s18, s14, $0xb8;
	[tilespmem:$0xF800] =	vst v63  }
0x12: {  	_ =	swait.ge [sflag:s16], $0x800  }
0x13: {  	[sflag:s16] =	ssyncset.done $0x0  }
0x14: {  	s18 =	sadd.s32 $0x5000, s18;
	[sflag:s16] =	ssyncadd.s32 $0xFFFFF800  }
0x15: {  	[spmem:s2] =	stream.indirect.scatter.add.f32 [tilespmem:s15], [sflag:$0x2], $0x10, s18, s14, $0xb8;
	[tilespmem:$0xF800] =	vst v63  }
0x16: {  	_ =	swait.ge [sflag:s10], $0x800  }
0x17: {  	[sflag:s10] =	ssyncset.done $0x0  }
0x18: {  	[sflag:s10] =	ssyncadd.s32 $0xFFFFF800  }
.LBB2_8:
0x19: {  	[bflag:$0x0] =	sbarrier.arrive $0xFFFF;
	s17 =	sadd.s32 $0x1, s17  }
0x1a: {  	[hbm:s8], [sflag:s11] =	dma.local [spmem:s12], $0xA00  }
0x1b: {  	p1 =	sne.s32 s17, s9  }
.Ltmp1:
0x1c: {  	_ =	swait.ge [sflag:s10], $0xA00;
	(pc) =	sbr.rel @!p1 .LBB2_9-.Ltmp1, $3  }
0x1d: {  	[sflag:s10] =	ssyncset.done $0x0  }
0x1e: {  	[sflag:s10] =	ssyncadd.s32 $0xFFFFF600  }
0x1f: {  	[bflag:$0x0] =	sbarrier.arrive $0xFFFF;
	_ =	sdelay $0x1  }
.LBB2_1:
0x20: {  	[tilespmem:s3], [sflag:$0x2] =	stream.linear.gather [hbm4b:s6+s3], $0x5000, $0x38;
	[tilespmem:$0xF800] =	vst v63  }
0x21: {  	_ =	swait.ge [sflag:s10], $0x5000  }
0x22: {  	[sflag:s10] =	ssyncset.done $0x0  }
0x23: {  	[sflag:s10] =	ssyncadd.s32 $0xFFFFB000  }
0x24: {  	[spmem:s12], [sflag:s11] =	dma.local [hbm:s5], $0xA00  }
0x25: {  	_ =	swait.ge [sflag:s10], $0xA00  }
0x26: {  	[sflag:s10] =	ssyncset.done $0x0  }
0x27: {  	[sflag:s10] =	ssyncadd.s32 $0xFFFFF600  }
.Ltmp2:
0x28: {  	[bflag:$0x0] =	sbarrier.arrive $0xFFFF;
	(pc) =	sbr.rel @!p0 .LBB2_2-.Ltmp2, $4  }
0x29: {  	[tilespmem:s13], [sflag:$0x2] =	stream.linear.gather [hbm4b:s7+s3], $0x5000, $0x38;
	[tilespmem:$0xF800] =	vst v63  }
0x2a: {  	_ =	swait.ge [sflag:s10], $0x5000  }
0x2b: {  	[sflag:s10] =	ssyncset.done $0x0  }
0x2c: {  	s18 =	simm.s32 $0x0;
	[sflag:s10] =	ssyncadd.s32 $0xFFFFB000  }
0x2d: {  	[tilespmem:s15], [sflag:$0x1] =	stream.indirect.gather [hbm4b:s4+s14], $0x10, s18, s14, $0xb8;
	[tilespmem:$0xF800] =	vst v63  }
0x2e: {  	_ =	swait.ge [sflag:s16], $0x800  }
0x2f: {  	[sflag:s16] =	ssyncset.done $0x0  }
0x30: {  	s31 =	simm.s32 $0x5000;
	[sflag:s16] =	ssyncadd.s32 $0xFFFFF800  }
0x31: {  	[spmem:s2] =	stream.indirect.scatter.add.f32 [tilespmem:s15], [sflag:$0x2], $0x10, s31, s14, $0xb8;
	[tilespmem:$0xF800] =	vst v63  }
0x32: {  	_ =	swait.ge [sflag:s10], $0x800  }
0x33: {  	s18 =	simm.s32 $0x200;
	s19 =	simm.s32 $0x400;
	[sflag:s10] =	ssyncset.done $0x0  }
.LBB2_6:
0x34: {  	s20 =	sshra.s32 s18, $0x2  }
0x35: {  	[sflag:s10] =	ssyncadd.s32 $0xFFFFF800;
	s18 =	smov.u32 s19;
	s21 =	sadd.s32 $0x200, s19  }
0x36: {  	[tilespmem:s15], [sflag:$0x1] =	stream.indirect.gather [hbm4b:s4+s14], $0x10, s20, s14, $0xb8;
	[tilespmem:$0xF800] =	vst v63  }
0x37: {  	p1 =	sne.s32 s19, $0x13E00;
	_ =	swait.ge [sflag:s16], $0x800  }
.Ltmp3:
0x38: {  	[sflag:s16] =	ssyncset.done $0x0;
	(pc) =	sbr.rel @p1 .LBB2_6-.Ltmp3, $4  }
0x39: {  	s19 =	sadd.s32 $0x5000, s20;
	[sflag:s16] =	ssyncadd.s32 $0xFFFFF800  }
0x3a: {  	[spmem:s2] =	stream.indirect.scatter.add.f32 [tilespmem:s15], [sflag:$0x2], $0x10, s19, s14, $0xb8;
	[tilespmem:$0xF800] =	vst v63  }
0x3b: {  	_ =	swait.ge [sflag:s10], $0x800  }
0x3c: {  	s19 =	smov.u32 s21;
	[sflag:s10] =	ssyncset.done $0x0  }
.Ltmp4:
0x3d: {  	_ = 	snop;
	(pc) =	sbr.rel .LBB2_7-.Ltmp4, $1  }
0x3e: {  	_ =	sdelay $0x3  }
.LBB2_2:
0x3f: {  	[tilespmem:s15], [sflag:$0x1] =	stream.indirect.gather [hbm4b:s4+s14], $0x10, s18, s14, $0xb8;
	[tilespmem:$0xF800] =	vst v63  }
0x40: {  	_ =	swait.ge [sflag:s16], $0x800  }
0x41: {  	[sflag:s16] =	ssyncset.done $0x0  }
0x42: {  	s31 =	simm.s32 $0x5000;
	[sflag:s16] =	ssyncadd.s32 $0xFFFFF800  }
0x43: {  	[spmem:s2] =	stream.indirect.scatter.add.f32 [tilespmem:s15], [sflag:$0x2], $0x10, s31, s14, $0xb8;
	[tilespmem:$0xF800] =	vst v63  }
0x44: {  	_ =	swait.ge [sflag:s10], $0x800  }
0x45: {  	s18 =	simm.s32 $0x200;
	s19 =	simm.s32 $0x400;
	[sflag:s10] =	ssyncset.done $0x0  }
.LBB2_3:
0x46: {  	s20 =	sshra.s32 s18, $0x2  }
0x47: {  	[sflag:s10] =	ssyncadd.s32 $0xFFFFF800;
	s18 =	smov.u32 s19;
	s21 =	sadd.s32 $0x200, s19  }
0x48: {  	[tilespmem:s15], [sflag:$0x1] =	stream.indirect.gather [hbm4b:s4+s14], $0x10, s20, s14, $0xb8;
	[tilespmem:$0xF800] =	vst v63  }
0x49: {  	p1 =	seq.s32 s19, $0x13E00;
	_ =	swait.ge [sflag:s16], $0x800  }
.Ltmp5:
0x4a: {  	[sflag:s16] =	ssyncset.done $0x0;
	(pc) =	sbr.rel @!p1 .LBB2_3-.Ltmp5, $4  }
0x4b: {  	s19 =	sadd.s32 $0x5000, s20;
	[sflag:s16] =	ssyncadd.s32 $0xFFFFF800  }
0x4c: {  	[spmem:s2] =	stream.indirect.scatter.add.f32 [tilespmem:s15], [sflag:$0x2], $0x10, s19, s14, $0xb8;
	[tilespmem:$0xF800] =	vst v63  }
0x4d: {  	_ =	swait.ge [sflag:s10], $0x800  }
0x4e: {  	s19 =	smov.u32 s21;
	[sflag:s10] =	ssyncset.done $0x0  }
0x4f: {  	s18 =	sshra.s32 s18, $0x2;
	[sflag:s10] =	ssyncadd.s32 $0xFFFFF800  }
0x50: {  	[tilespmem:s15], [sflag:$0x1] =	stream.indirect.gather [hbm4b:s4+s14], $0x10, s18, s14, $0xb8;
	[tilespmem:$0xF800] =	vst v63  }
0x51: {  	_ =	swait.ge [sflag:s16], $0x800  }
0x52: {  	[sflag:s16] =	ssyncset.done $0x0  }
.Ltmp6:
0x53: {  	s18 =	sadd.s32 $0x5000, s18;
	[sflag:s16] =	ssyncadd.s32 $0xFFFFF800;
	(pc) =	sbr.rel .LBB2_8-.Ltmp6, $4  }
0x54: {  	[spmem:s2] =	stream.indirect.scatter.add.f32 [tilespmem:s15], [sflag:$0x2], $0x10, s18, s14, $0xb8;
	[tilespmem:$0xF800] =	vst v63  }
0x55: {  	_ =	swait.ge [sflag:s10], $0x800  }
0x56: {  	[sflag:s10] =	ssyncset.done $0x0  }
0x57: {  	[sflag:s10] =	ssyncadd.s32 $0xFFFFF800  }
.LBB2_9:
0x58: {  	_ =	sfence.sel $0x180000  }
0x59: {  	[bflag:$0x0] =	sbarrier.arrive $0xFFFF  }
0x5a: {  	p0 =	sne.s32 s1, $0x0;
	_ =	strace $0x90000047  }
0x5b: {  	s0 =	sadd.s32 @!p0 $0x100000, s0;
	[bflag:$0x2] =	sbarrier.arrive $0xFFFF  }
0x5c: {  	[sflag:s0] =	ssyncadd.tile.s32 @!p0 $0x1;
	_ =	shalt  }
.Lfunc_end2:
_tile_overlayer_lowered:
.L_overlay_start_2:
0x5d: {  	(tag) =	ssettag $0x2  }
0x5e: {  	s0 =	rddreg [dreg:$0x0];
	s2 =	stileid.u32  }
0x5f: {  	s1 =	rddreg [dreg:$0x1];
	p0 =	sne.s32 s2, $0x0  }
0x60: {  	s3 =	rddreg [dreg:$0x2];
	[bflag:$0x3] =	sbarrier.arrive $0xFFFF;
	s2 =	simm.s32 @!p0 $0x1C02  }
0x61: {  	[timem:s3], [sflag:s2] =	dma.local @!p0 [hbm:s0], s1  }
0x62: {  	s0 =	simm.s32 @!p0 $0x2  }
0x63: {  	_ =	swait.ge @!p0 [sflag:s0], s1  }
0x64: {  	s1 =	ssub.s32 @!p0 $0x0, s1;
	[sflag:s0] =	ssyncset.done @!p0 $0x0  }
0x65: {  	[sflag:s0] =	ssyncadd.s32 @!p0 s1  }
0x66: {  	[bflag:$0x3] =	sbarrier.arrive $0xFFFF  }
0x67: {  	_ =	shalt  }

</sc_bundles>
